<compile_context>
chip_gen: v7x
topology: tpu7x:2x2x1
jax: 0.10.2.dev20260603
libtpu: 0.0.44.dev20260713+nightly
codegen_flags: <defaults>
</compile_context>

<pallas_src>
import functools
import math

import jax
import jax.numpy as jnp
from jax import lax
from jax.experimental import pallas as pl
from jax.experimental.pallas import tpu as pltpu
import jax.experimental.pallas.tpu_sc as plsc

_D = 768
_E = 8
_K = 2
_H = 2048
_N = 4096
_NK = _N * _K
_CAP = 1280
_EC = _E * _CAP
_AUX_W = 0.01
_Z_W = 0.001

_SC_NC = 2
_SC_NS = 16
_NW = _SC_NC * _SC_NS

_BT = 256
_NTB = _N // _BT

_CB = 256
_BH = 512

_SC_SCAT_CH = _NK // _NW // 64
_SC_GATH_ROWS = _NK // _NW



def _router_body(x_ref, wg_ref, idx_ref, dst0_ref, dst1_ref, g0_ref, g1_ref,
                 w0_ref, w1_ref, aux_ref, base_ref, pm_ref, fr_ref, z2_ref):
    tb = pl.program_id(0)

    @pl.when(tb == 0)
    def _init():
        base_ref[...] = jnp.zeros_like(base_ref)
        pm_ref[...] = jnp.zeros_like(pm_ref)
        fr_ref[...] = jnp.zeros_like(fr_ref)
        z2_ref[...] = jnp.zeros_like(z2_ref)

    x = x_ref[...]
    wg = wg_ref[...]
    logits = lax.dot_general(x, wg, (((1,), (1,)), ((), ())),
                             preferred_element_type=jnp.float32)

    io_e = lax.broadcasted_iota(jnp.int32, (_BT, _E), 1).astype(jnp.float32)
    m1 = jnp.max(logits, axis=1, keepdims=True)
    idx1 = jnp.min(jnp.where(logits == m1, io_e, 1e9), axis=1, keepdims=True)
    oh1 = (io_e == idx1).astype(jnp.float32)
    neg = jnp.where(oh1 > 0, -jnp.inf, logits)
    m2 = jnp.max(neg, axis=1, keepdims=True)
    idx2 = jnp.min(jnp.where(neg == m2, io_e, 1e9), axis=1, keepdims=True)
    oh2 = (io_e == idx2).astype(jnp.float32)

    e2 = jnp.exp(m2 - m1)
    p1 = 1.0 / (1.0 + e2)
    p2 = 1.0 - p1

    ex = jnp.exp(logits - m1)
    zden = jnp.sum(ex, axis=1, keepdims=True)
    probs = ex / zden
    pm_ref[...] += jnp.sum(probs, axis=0, keepdims=True)
    fr_ref[...] += jnp.sum(oh1, axis=0, keepdims=True)
    zlse = m1 + jnp.log(zden)
    z2_ref[...] += jnp.sum(zlse * zlse, axis=(0, 1), keepdims=True)

    s = oh1 + oh2
    row_i = lax.broadcasted_iota(jnp.int32, (_BT, _BT), 0)
    col_i = lax.broadcasted_iota(jnp.int32, (_BT, _BT), 1)
    tril = (row_i > col_i).astype(jnp.float32)
    prefix = lax.dot_general(tril, s, (((1,), (0,)), ((), ())),
                             preferred_element_type=jnp.float32)
    pb = prefix + base_ref[...]
    rank0 = jnp.sum(pb * oh1, axis=1, keepdims=True)
    rank1 = (jnp.sum(pb * oh2, axis=1, keepdims=True)
             + jnp.sum(oh1 * oh2, axis=1, keepdims=True))
    base_ref[...] += jnp.sum(s, axis=0, keepdims=True)

    keep0 = (rank0 < _CAP).astype(jnp.float32)
    keep1 = (rank1 < _CAP).astype(jnp.float32)
    slot0 = jnp.minimum(rank0, _CAP - 1.0)
    slot1 = jnp.minimum(rank1, _CAP - 1.0)
    tgt0 = jnp.sum(io_e * oh1, axis=1, keepdims=True)
    tgt1 = jnp.sum(io_e * oh2, axis=1, keepdims=True)
    gidx0 = tgt0 * _CAP + slot0
    gidx1 = tgt1 * _CAP + slot1

    n_io = lax.broadcasted_iota(jnp.int32, (_BT, 1), 0).astype(jnp.float32)
    dump = _EC + jnp.mod(n_io, 8.0)
    dst0_ref[...] = jnp.where(keep0 > 0, gidx0, dump).astype(jnp.int32)
    dst1_ref[...] = jnp.where(keep1 > 0, gidx1, dump).astype(jnp.int32)
    g0_ref[...] = gidx0.astype(jnp.int32)
    g1_ref[...] = gidx1.astype(jnp.int32)

    wa = p1 * keep0
    wb = p2 * keep1
    den = jnp.maximum(wa + wb, 1e-12)
    w0_ref[...] = wa / den
    w1_ref[...] = wb / den
    idx_ref[...] = jnp.concatenate([tgt0, tgt1], axis=1).astype(jnp.int32)

    pm = pm_ref[...] / _N
    fr = fr_ref[...] / _N
    bal = jnp.sum(pm * fr, axis=(0, 1), keepdims=True) * _E
    z2 = z2_ref[...] / _N
    aux_ref[...] = _AUX_W * bal + _Z_W * z2


def _router(x_flat, w_gate):
    f32 = jnp.float32
    i32 = jnp.int32
    return pl.pallas_call(
        _router_body,
        grid=(_NTB,),
        in_specs=[
            pl.BlockSpec((_BT, _D), lambda tb: (tb, 0)),
            pl.BlockSpec((_E, _D), lambda tb: (0, 0)),
        ],
        out_specs=[
            pl.BlockSpec((_BT, _K), lambda tb: (tb, 0)),
            pl.BlockSpec((_BT, 1), lambda tb: (tb, 0)),
            pl.BlockSpec((_BT, 1), lambda tb: (tb, 0)),
            pl.BlockSpec((_BT, 1), lambda tb: (tb, 0)),
            pl.BlockSpec((_BT, 1), lambda tb: (tb, 0)),
            pl.BlockSpec((_BT, 1), lambda tb: (tb, 0)),
            pl.BlockSpec((_BT, 1), lambda tb: (tb, 0)),
            pl.BlockSpec((1, 1), lambda tb: (0, 0)),
        ],
        out_shape=[
            jax.ShapeDtypeStruct((_N, _K), i32),
            jax.ShapeDtypeStruct((_N, 1), i32),
            jax.ShapeDtypeStruct((_N, 1), i32),
            jax.ShapeDtypeStruct((_N, 1), i32),
            jax.ShapeDtypeStruct((_N, 1), i32),
            jax.ShapeDtypeStruct((_N, 1), f32),
            jax.ShapeDtypeStruct((_N, 1), f32),
            jax.ShapeDtypeStruct((1, 1), f32),
        ],
        scratch_shapes=[
            pltpu.VMEM((1, _E), f32),
            pltpu.VMEM((1, _E), f32),
            pltpu.VMEM((1, _E), f32),
            pltpu.VMEM((1, 1), f32),
        ],
    )(x_flat, w_gate)



def _sc_scatter_body(x_hbm, idx_hbm, buf_hbm, idxg_v, b0, b1, sin, sout):
    w = lax.axis_index("s") * _SC_NC + lax.axis_index("c")
    base = w * (_SC_SCAT_CH * 64)
    pltpu.sync_copy(idx_hbm.at[w], idxg_v)
    src0 = lax.rem(base, _N)
    bufs = (b0, b1)
    nch = _SC_SCAT_CH
    ins = [pltpu.async_copy(x_hbm.at[pl.ds(src0, 64)], b0, sin)]
    outs = []
    for ch in range(nch):
        ins[ch].wait()
        outs.append(pltpu.async_copy(bufs[ch % 2],
                                     buf_hbm.at[idxg_v.at[ch]], sout))
        if ch + 1 < nch:
            if ch >= 1:
                outs[ch - 1].wait()
            ins.append(pltpu.async_copy(
                x_hbm.at[pl.ds(src0 + (ch + 1) * 64, 64)],
                bufs[(ch + 1) % 2], sin))
    outs[nch - 2].wait()
    outs[nch - 1].wait()


@functools.lru_cache(maxsize=None)
def _sc_scatter_kernel():
    return pl.kernel(
        _sc_scatter_body,
        out_type=jax.ShapeDtypeStruct((_EC + 8, _D), jnp.float32),
        mesh=plsc.VectorSubcoreMesh(core_axis_name="c", subcore_axis_name="s",
                                    num_cores=_SC_NC, num_subcores=_SC_NS),
        scratch_types=[
            pltpu.VMEM((_SC_SCAT_CH, 64), jnp.int32),
            pltpu.VMEM((64, _D), jnp.float32),
            pltpu.VMEM((64, _D), jnp.float32),
            pltpu.SemaphoreType.DMA,
            pltpu.SemaphoreType.DMA,
        ],
    )


def _sc_scatter(x_flat, dst3):
    return _sc_scatter_kernel()(x_flat, dst3)



def _sc_gather_body(tab_hbm, idx_hbm, out_hbm, idx_v, b0, b1, sin, sout):
    w = lax.axis_index("s") * _SC_NC + lax.axis_index("c")
    base = w * _SC_GATH_ROWS
    pltpu.sync_copy(idx_hbm.at[pl.ds(base, _SC_GATH_ROWS)], idx_v)
    bufs = (b0, b1)
    nch = _SC_GATH_ROWS // 64
    ins = [pltpu.async_copy(tab_hbm.at[idx_v.at[pl.ds(0, 64)]], b0, sin)]
    outs = []
    for ch in range(nch):
        ins[ch].wait()
        outs.append(pltpu.async_copy(
            bufs[ch % 2], out_hbm.at[pl.ds(base + ch * 64, 64)], sout))
        if ch + 1 < nch:
            if ch >= 1:
                outs[ch - 1].wait()
            ins.append(pltpu.async_copy(
                tab_hbm.at[idx_v.at[pl.ds((ch + 1) * 64, 64)]],
                bufs[(ch + 1) % 2], sin))
    outs[nch - 2].wait()
    outs[nch - 1].wait()


@functools.lru_cache(maxsize=None)
def _sc_gather_kernel():
    return pl.kernel(
        _sc_gather_body,
        out_type=jax.ShapeDtypeStruct((_NK, _D), jnp.float32),
        mesh=plsc.VectorSubcoreMesh(core_axis_name="c", subcore_axis_name="s",
                                    num_cores=_SC_NC, num_subcores=_SC_NS),
        scratch_types=[
            pltpu.VMEM((_SC_GATH_ROWS,), jnp.int32),
            pltpu.VMEM((64, _D), jnp.float32),
            pltpu.VMEM((64, _D), jnp.float32),
            pltpu.SemaphoreType.DMA,
            pltpu.SemaphoreType.DMA,
        ],
    )


def _sc_gather(tab, gidx):
    return _sc_gather_kernel()(tab, gidx)



def _ffn_body(buf_ref, wg_ref, wu_ref, w2_ref, out_ref):
    hb = pl.program_id(1)
    bf16 = jnp.bfloat16
    xb = buf_ref[...].astype(bf16)
    g = jnp.dot(xb, wg_ref[0].astype(bf16), preferred_element_type=jnp.float32)
    u = jnp.dot(xb, wu_ref[0].astype(bf16), preferred_element_type=jnp.float32)
    act = g * (1.0 / (1.0 + jnp.exp(-g))) * u
    part = jnp.dot(act.astype(bf16), w2_ref[0].astype(bf16),
                   preferred_element_type=jnp.float32)

    @pl.when(hb == 0)
    def _set():
        out_ref[...] = part

    @pl.when(hb > 0)
    def _acc():
        out_ref[...] += part


def _ffn(buf, w13, w2):
    nhb = _H // _BH
    return pl.pallas_call(
        _ffn_body,
        grid=(_E, nhb),
        in_specs=[
            pl.BlockSpec((_CAP, _D), lambda e, h: (e, 0)),
            pl.BlockSpec((1, _D, _BH), lambda e, h: (e, 0, h)),
            pl.BlockSpec((1, _D, _BH), lambda e, h: (e, 0, nhb + h)),
            pl.BlockSpec((1, _BH, _D), lambda e, h: (e, h, 0)),
        ],
        out_specs=pl.BlockSpec((_CAP, _D), lambda e, h: (e, 0)),
        out_shape=jax.ShapeDtypeStruct((_EC, _D), jnp.float32),
        compiler_params=pltpu.CompilerParams(
            dimension_semantics=("arbitrary", "arbitrary")),
    )(buf, w13, w13, w2)



def _gelu(v):
    return 0.5 * v * (1.0 + lax.erf(v * 0.7071067811865476))


def _dot_rt(a, b):
    return lax.dot_general(a, b, (((1,), (1,)), ((), ())),
                           preferred_element_type=jnp.float32)


def _collab_body(s0_ref, s1_ref, w0_ref, w1_ref, wm_ref, wq_ref, wk_ref,
                 wu1_ref, wu2_ref, y_ref):
    w0 = w0_ref[...]
    w1 = w1_ref[...]
    km0 = (w0 > 0).astype(jnp.float32)
    km1 = (w1 > 0).astype(jnp.float32)
    s0 = jnp.where(w0 > 0, s0_ref[...], 0.0)
    s1 = jnp.where(w1 > 0, s1_ref[...], 0.0)

    bf16 = jnp.bfloat16
    wm = wm_ref[...].astype(bf16)
    wq = wq_ref[...].astype(bf16)
    wk = wk_ref[...].astype(bf16)
    s0h = s0.astype(bf16)
    s1h = s1.astype(bf16)
    m0 = _dot_rt(s0h, wm)
    m1 = _dot_rt(s1h, wm)
    q0 = _dot_rt(s0h, wq)
    q1 = _dot_rt(s1h, wq)
    k0 = _dot_rt(m0.astype(bf16), wk)
    k1 = _dot_rt(m1.astype(bf16), wk)

    inv = 1.0 / math.sqrt(_D)
    s00 = jnp.sum(q0 * k0, axis=1, keepdims=True) * inv
    s01 = jnp.sum(q0 * k1, axis=1, keepdims=True) * inv
    s10 = jnp.sum(q1 * k0, axis=1, keepdims=True) * inv
    s11 = jnp.sum(q1 * k1, axis=1, keepdims=True) * inv

    v00 = km0 * km0
    v01 = km0 * km1
    v10 = km1 * km0
    v11 = km1 * km1
    big = -1e9
    t00 = jnp.where(v00 > 0, s00, big)
    t01 = jnp.where(v01 > 0, s01, big)
    t10 = jnp.where(v10 > 0, s10, big)
    t11 = jnp.where(v11 > 0, s11, big)

    mx0 = jnp.maximum(t00, t01)
    p00 = jnp.exp(t00 - mx0) * v00
    p01 = jnp.exp(t01 - mx0) * v01
    z0 = jnp.maximum(p00 + p01, 1e-12)
    a00 = p00 / z0
    a01 = p01 / z0
    mx1 = jnp.maximum(t10, t11)
    p10 = jnp.exp(t10 - mx1) * v10
    p11 = jnp.exp(t11 - mx1) * v11
    z1 = jnp.maximum(p10 + p11, 1e-12)
    a10 = p10 / z1
    a11 = p11 / z1

    c0 = a00 * m0 + a01 * m1
    c1 = a10 * m0 + a11 * m1
    cat0 = jnp.concatenate([s0h, c0.astype(bf16)], axis=1)
    cat1 = jnp.concatenate([s1h, c1.astype(bf16)], axis=1)
    wu1 = wu1_ref[...].astype(bf16)
    wu2 = wu2_ref[...].astype(bf16)
    h0 = _gelu(_dot_rt(cat0, wu1))
    h1 = _gelu(_dot_rt(cat1, wu1))
    r0 = s0 + _dot_rt(h0.astype(bf16), wu2)
    r1 = s1 + _dot_rt(h1.astype(bf16), wu2)
    y_ref[...] = w0 * r0 + w1 * r1


def _collab(sel, w0, w1, wm, wq, wk, wu1, wu2):
    return pl.pallas_call(
        _collab_body,
        grid=(_NTB,),
        in_specs=[
            pl.BlockSpec((_BT, _D), lambda tb: (tb, 0)),
            pl.BlockSpec((_BT, _D), lambda tb: (_NTB + tb, 0)),
            pl.BlockSpec((_BT, 1), lambda tb: (tb, 0)),
            pl.BlockSpec((_BT, 1), lambda tb: (tb, 0)),
            pl.BlockSpec((_D, _D), lambda tb: (0, 0)),
            pl.BlockSpec((_D, _D), lambda tb: (0, 0)),
            pl.BlockSpec((_D, _D), lambda tb: (0, 0)),
            pl.BlockSpec((2 * _D, 2 * _D), lambda tb: (0, 0)),
            pl.BlockSpec((_D, 2 * _D), lambda tb: (0, 0)),
        ],
        out_specs=pl.BlockSpec((_BT, _D), lambda tb: (tb, 0)),
        out_shape=jax.ShapeDtypeStruct((_N, _D), jnp.float32),
    )(sel, sel, w0, w1, wm, wq, wk, wu1, wu2)



def kernel(x, W_gate, W13, W2, Wmsg, Wq, Wk, Wu1, Wu2):
    bx, tx, dx = x.shape
    x_flat = x.reshape(-1, dx).astype(jnp.float32)

    (topk_idx, dst0, dst1, g0, g1, w0, w1, aux) = _router(x_flat, W_gate)

    dst = jnp.concatenate([dst0[:, 0], dst1[:, 0]])
    buf = _sc_scatter(x_flat, dst.reshape(_NW, _SC_SCAT_CH, 64))
    out_buf = _ffn(buf, W13, W2)
    gidx = jnp.concatenate([g0[:, 0], g1[:, 0]])
    sel = _sc_gather(out_buf, gidx)

    y = _collab(sel, w0, w1, Wmsg, Wq, Wk, Wu1, Wu2)
    return (y.reshape(bx, tx, dx), aux[0, 0],
            topk_idx.reshape(bx, tx, _K))

# --- scband reference (transcript-rebuilt; emitter-appended) ---
"""Pipeline reference for scband-mo-ctop-kexperts-72627896976025 (READ-ONLY COPY).

The authoritative reference and input builder live on the scoring server;
editing this copy changes nothing except your own understanding.
"""

import math
import jax
import jax.numpy as jnp
import numpy as np

B, T, D = 2, 2048, 768
E, K = 8, 2
# hidden_dim: int(4.0*768)=3072 -> int(2*3072/3)=2048 -> ceil to multiple of 256 -> 2048
H = 2048
CAPACITY_FACTOR = 1.25
AUX_W = 0.01
Z_W = 0.001


def setup_inputs(seed: int = 0) -> dict:
    key = jax.random.key(seed)
    ks = jax.random.split(key, 9)
    x = jax.random.normal(ks[0], (B, T, D), dtype=jnp.float32)
    W_gate = jax.random.normal(ks[1], (E, D), dtype=jnp.float32) * 0.02
    W13 = jax.random.normal(ks[2], (E, D, 2 * H), dtype=jnp.float32) * 0.02  # stacked expert w13 (x @ W13 form)
    W2 = jax.random.normal(ks[3], (E, H, D), dtype=jnp.float32) * 0.02       # stacked expert w2
    Wmsg = jax.random.normal(ks[4], (D, D), dtype=jnp.float32) * 0.02
    Wq = jax.random.normal(ks[5], (D, D), dtype=jnp.float32) * 0.02
    Wk = jax.random.normal(ks[6], (D, D), dtype=jnp.float32) * 0.02
    Wu1 = jax.random.normal(ks[7], (2 * D, 2 * D), dtype=jnp.float32) * 0.02  # torch [out,in]
    Wu2 = jax.random.normal(ks[8], (D, 2 * D), dtype=jnp.float32) * 0.02
    return {"x": x, "W_gate": W_gate, "W13": W13, "W2": W2, "Wmsg": Wmsg, "Wq": Wq, "Wk": Wk, "Wu1": Wu1, "Wu2": Wu2}


def reference(x, W_gate, W13, W2, Wmsg, Wq, Wk, Wu1, Wu2):
    Bx, Tx, Dx = x.shape
    N = Bx * Tx
    x_flat = x.reshape(N, Dx).astype(jnp.float32)
    # router
    logits = x_flat @ W_gate.T  # [N, E]
    topk_vals, topk_idx = jax.lax.top_k(logits, K)
    topk_probs = jax.nn.softmax(topk_vals, axis=-1)
    top1 = jnp.argmax(logits, axis=-1)
    router_probs = jax.nn.softmax(logits, axis=-1)
    prob_mass = router_probs.mean(axis=0)
    frac = jax.nn.one_hot(top1, E, dtype=jnp.float32).mean(axis=0)
    balance_loss = (prob_mass * frac).sum() * E
    z = jax.scipy.special.logsumexp(logits, axis=-1)
    z_loss = jnp.mean(z ** 2)
    aux_loss = AUX_W * balance_loss + Z_W * z_loss
    # capacity-aware dispatch
    NK = N * K
    x_exp = jnp.repeat(x_flat[:, None, :], K, axis=1).reshape(NK, Dx)
    tgt = topk_idx.reshape(-1)  # [NK]
    sort_idx = jnp.argsort(tgt)  # stable
    inv = jnp.argsort(sort_idx)  # position in sorted order per original index
    counts = jnp.bincount(tgt, length=E)
    Ccap = int(math.ceil(NK / max(1, E) * CAPACITY_FACTOR))
    offsets = jnp.cumsum(counts) - counts
    rank = inv - offsets[tgt]
    keep = rank < Ccap  # [NK] bool
    slot = jnp.where(keep, rank, Ccap)
    buf = jnp.zeros((E, Ccap + 1, Dx), dtype=jnp.float32).at[tgt, slot].add(x_exp * keep[:, None].astype(jnp.float32))
    buf = buf[:, :Ccap]
    # fused expert FFN (SwiGLU)
    gate_up = jnp.einsum('ecd,edh->ech', buf, W13)
    g, u = jnp.split(gate_up, 2, axis=-1)
    act = jax.nn.silu(g) * u
    out_buf = jnp.einsum('ech,ehd->ecd', act, W2)
    slot_g = jnp.minimum(rank, Ccap - 1)
    out_sel = out_buf[tgt, slot_g] * keep[:, None].astype(jnp.float32)
    selected = out_sel.reshape(N, K, Dx)
    km = keep.reshape(N, K)
    # simple collaboration
    M = selected @ Wmsg.T
    Q = selected @ Wq.T
    Kk = M @ Wk.T
    scores = jnp.einsum('nkd,njd->nkj', Q, Kk) / math.sqrt(Dx)
    valid = km[:, :, None] & km[:, None, :]
    scores = jnp.where(valid, scores, -1000000000.0)
    A = jax.nn.softmax(scores, axis=-1)
    A = A * valid.astype(A.dtype)
    A = A / jnp.maximum(A.sum(axis=-1, keepdims=True), 1e-12)
    Cmat = jnp.einsum('nkj,njd->nkd', A, M)
    cat = jnp.concatenate([selected, Cmat], axis=-1)
    h = jax.nn.gelu(cat @ Wu1.T, approximate=False)
    refined = selected + h @ Wu2.T
    # fusion: mask dropped entries, renormalize top-k weights over kept, sum
    w = topk_probs * km.astype(jnp.float32)
    w = w / jnp.maximum(w.sum(axis=-1, keepdims=True), 1e-12)
    fused = jnp.sum(w[..., None] * refined, axis=1)
    y = fused.reshape(Bx, Tx, Dx)
    return y, aux_loss, topk_idx.reshape(Bx, Tx, K)


if False:  # reference __main__ guard neutralized (emitter)
    inp = setup_inputs()
    out = reference(**inp)
    print(out[0].shape, out[1], out[2].shape)

if __name__ == "__main__":
    import jax
    _d = setup_inputs()
    print(jax.jit(kernel)(*tuple(_d.values())))

</pallas_src>

<mosaic_0001>
#map = affine_map<(d0, d1) -> (0, 0)>
#map1 = affine_map<(d0, d1) -> (0)>
module attributes {stable_mosaic.version = 14 : i64} {
  func.func @_sc_gather_body(%arg0: i32, %arg1: i32, %arg2: memref<10240x768xf32, #tpu.memory_space<hbm>>, %arg3: memref<8192xi32, #tpu.memory_space<hbm>>, %arg4: memref<8192x768xf32, #tpu.memory_space<hbm>>, %arg5: memref<256xi32, #tpu.memory_space<vmem>>, %arg6: memref<64x768xf32, #tpu.memory_space<vmem>>, %arg7: memref<64x768xf32, #tpu.memory_space<vmem>>, %arg8: memref<!tpu.dma_semaphore, #tpu.memory_space<semaphore_mem>>, %arg9: memref<!tpu.dma_semaphore, #tpu.memory_space<semaphore_mem>>) attributes {dimension_semantics = [#tpu.dimension_semantics<core_parallel>, #tpu.dimension_semantics<subcore_parallel>], iteration_bounds = array<i64: 2, 16>, scalar_prefetch = 0 : i64, scratch_operands = 5 : i64, tpu.core_type = #tpu.core_type<sc_vector_subcore>, window_params = [{transform_indices = #map}, {transform_indices = #map1}, {transform_indices = #map}]} {
    %mul3A = arith.constant 2 : i32
    %mul3A_0 = arith.muli %arg1, %mul3A : i32
    %add3A = arith.addi %mul3A_0, %arg0 : i32
    %mul3A_1 = arith.constant 256 : i32
    %mul3A_2 = arith.muli %add3A, %mul3A_1 : i32
    "tpu.region"() ({
      %run_scoped3A = tpu.sem_alloc : memref<!tpu.dma_semaphore, #tpu.memory_space<semaphore_mem>>
      %dma_start3A_81 = tpu.memref_slice %arg3[%mul3A_2] : memref<8192xi32, #tpu.memory_space<hbm>> -> memref<256xi32, #tpu.memory_space<hbm>>
      %dma_start3A_82 = tpu.memref_slice %arg3[%mul3A_2] : memref<8192xi32, #tpu.memory_space<hbm>> -> memref<256xi32, #tpu.memory_space<hbm>>
      tpu.enqueue_dma source(%dma_start3A_82 : memref<256xi32, #tpu.memory_space<hbm>>) target(%arg5 : memref<256xi32, #tpu.memory_space<vmem>>) target_semaphore(%run_scoped3A : memref<!tpu.dma_semaphore, #tpu.memory_space<semaphore_mem>>)
      %dma_wait3A_83 = tpu.memref_slice %arg3[%mul3A_2] : memref<8192xi32, #tpu.memory_space<hbm>> -> memref<256xi32, #tpu.memory_space<hbm>>
      %dma_wait3A_84 = tpu.memref_slice %arg3[%mul3A_2] : memref<8192xi32, #tpu.memory_space<hbm>> -> memref<256xi32, #tpu.memory_space<hbm>>
      tpu.wait_dma2 semaphore(%run_scoped3A : memref<!tpu.dma_semaphore, #tpu.memory_space<semaphore_mem>>) src(%dma_wait3A_84 : memref<256xi32, #tpu.memory_space<hbm>>) dst(%arg5 : memref<256xi32, #tpu.memory_space<vmem>>)
      tpu.yield
    }) : () -> ()
    %dma_start3A = arith.constant 0 : i32
    %dma_start3A_3 = tpu.memref_slice %arg5[%dma_start3A] : memref<256xi32, #tpu.memory_space<vmem>> -> memref<64xi32, #tpu.memory_space<vmem>>
    %dma_start3A_4 = arith.constant 0 : i32
    %dma_start3A_5 = arith.constant 0 : i32
    %dma_start3A_6 = tpu.memref_slice %arg2[%dma_start3A_4, %dma_start3A_5] : memref<10240x768xf32, #tpu.memory_space<hbm>> -> memref<10240x768xf32, #tpu.memory_space<hbm>>
    tpu.enqueue_indirect_dma source(%dma_start3A_6 : memref<10240x768xf32, #tpu.memory_space<hbm>>) target(%arg6 : memref<64x768xf32, #tpu.memory_space<vmem>>) offsets(%dma_start3A_3 : memref<64xi32, #tpu.memory_space<vmem>>) semaphore(%arg8 : memref<!tpu.dma_semaphore, #tpu.memory_space<semaphore_mem>>)
    %dma_wait3A = arith.constant 0 : i32
    %dma_wait3A_7 = tpu.memref_slice %arg5[%dma_wait3A] : memref<256xi32, #tpu.memory_space<vmem>> -> memref<64xi32, #tpu.memory_space<vmem>>
    %dma_wait3A_8 = arith.constant 0 : i32
    %dma_wait3A_9 = arith.constant 0 : i32
    %dma_wait3A_10 = tpu.memref_slice %arg2[%dma_wait3A_8, %dma_wait3A_9] : memref<10240x768xf32, #tpu.memory_space<hbm>> -> memref<10240x768xf32, #tpu.memory_space<hbm>>
    tpu.wait_indirect_dma semaphore(%arg8 : memref<!tpu.dma_semaphore, #tpu.memory_space<semaphore_mem>>) src(%dma_wait3A_10 : memref<10240x768xf32, #tpu.memory_space<hbm>>) dst(%arg6 : memref<64x768xf32, #tpu.memory_space<vmem>>)
    %add3A_11 = arith.constant 0 : i32
    %add3A_12 = arith.addi %mul3A_2, %add3A_11 : i32
    %dma_start3A_13 = arith.constant 0 : i32
    %dma_start3A_14 = tpu.memref_slice %arg4[%add3A_12, %dma_start3A_13] : memref<8192x768xf32, #tpu.memory_space<hbm>> -> memref<64x768xf32, #tpu.memory_space<hbm>>
    %dma_start3A_15 = arith.constant 0 : i32
    %dma_start3A_16 = tpu.memref_slice %arg4[%add3A_12, %dma_start3A_15] : memref<8192x768xf32, #tpu.memory_space<hbm>> -> memref<64x768xf32, #tpu.memory_space<hbm>>
    tpu.enqueue_dma source(%arg6 : memref<64x768xf32, #tpu.memory_space<vmem>>) target(%dma_start3A_16 : memref<64x768xf32, #tpu.memory_space<hbm>>) target_semaphore(%arg9 : memref<!tpu.dma_semaphore, #tpu.memory_space<semaphore_mem>>)
    %dma_start3A_17 = arith.constant 64 : i32
    %dma_start3A_18 = tpu.memref_slice %arg5[%dma_start3A_17] : memref<256xi32, #tpu.memory_space<vmem>> -> memref<64xi32, #tpu.memory_space<vmem>>
    %dma_start3A_19 = arith.constant 0 : i32
    %dma_start3A_20 = arith.constant 0 : i32
    %dma_start3A_21 = tpu.memref_slice %arg2[%dma_start3A_19, %dma_start3A_20] : memref<10240x768xf32, #tpu.memory_space<hbm>> -> memref<10240x768xf32, #tpu.memory_space<hbm>>
    tpu.enqueue_indirect_dma source(%dma_start3A_21 : memref<10240x768xf32, #tpu.memory_space<hbm>>) target(%arg7 : memref<64x768xf32, #tpu.memory_space<vmem>>) offsets(%dma_start3A_18 : memref<64xi32, #tpu.memory_space<vmem>>) semaphore(%arg8 : memref<!tpu.dma_semaphore, #tpu.memory_space<semaphore_mem>>)
    %dma_wait3A_22 = arith.constant 64 : i32
    %dma_wait3A_23 = tpu.memref_slice %arg5[%dma_wait3A_22] : memref<256xi32, #tpu.memory_space<vmem>> -> memref<64xi32, #tpu.memory_space<vmem>>
    %dma_wait3A_24 = arith.constant 0 : i32
    %dma_wait3A_25 = arith.constant 0 : i32
    %dma_wait3A_26 = tpu.memref_slice %arg2[%dma_wait3A_24, %dma_wait3A_25] : memref<10240x768xf32, #tpu.memory_space<hbm>> -> memref<10240x768xf32, #tpu.memory_space<hbm>>
    tpu.wait_indirect_dma semaphore(%arg8 : memref<!tpu.dma_semaphore, #tpu.memory_space<semaphore_mem>>) src(%dma_wait3A_26 : memref<10240x768xf32, #tpu.memory_space<hbm>>) dst(%arg7 : memref<64x768xf32, #tpu.memory_space<vmem>>)
    %add3A_27 = arith.constant 64 : i32
    %add3A_28 = arith.addi %mul3A_2, %add3A_27 : i32
    %dma_start3A_29 = arith.constant 0 : i32
    %dma_start3A_30 = tpu.memref_slice %arg4[%add3A_28, %dma_start3A_29] : memref<8192x768xf32, #tpu.memory_space<hbm>> -> memref<64x768xf32, #tpu.memory_space<hbm>>
    %dma_start3A_31 = arith.constant 0 : i32
    %dma_start3A_32 = tpu.memref_slice %arg4[%add3A_28, %dma_start3A_31] : memref<8192x768xf32, #tpu.memory_space<hbm>> -> memref<64x768xf32, #tpu.memory_space<hbm>>
    tpu.enqueue_dma source(%arg7 : memref<64x768xf32, #tpu.memory_space<vmem>>) target(%dma_start3A_32 : memref<64x768xf32, #tpu.memory_space<hbm>>) target_semaphore(%arg9 : memref<!tpu.dma_semaphore, #tpu.memory_space<semaphore_mem>>)
    %dma_wait3A_33 = arith.constant 0 : i32
    %dma_wait3A_34 = tpu.memref_slice %arg4[%add3A_12, %dma_wait3A_33] : memref<8192x768xf32, #tpu.memory_space<hbm>> -> memref<64x768xf32, #tpu.memory_space<hbm>>
    %dma_wait3A_35 = arith.constant 0 : i32
    %dma_wait3A_36 = tpu.memref_slice %arg4[%add3A_12, %dma_wait3A_35] : memref<8192x768xf32, #tpu.memory_space<hbm>> -> memref<64x768xf32, #tpu.memory_space<hbm>>
    tpu.wait_dma2 semaphore(%arg9 : memref<!tpu.dma_semaphore, #tpu.memory_space<semaphore_mem>>) src(%arg6 : memref<64x768xf32, #tpu.memory_space<vmem>>) dst(%dma_wait3A_36 : memref<64x768xf32, #tpu.memory_space<hbm>>)
    %dma_start3A_37 = arith.constant 128 : i32
    %dma_start3A_38 = tpu.memref_slice %arg5[%dma_start3A_37] : memref<256xi32, #tpu.memory_space<vmem>> -> memref<64xi32, #tpu.memory_space<vmem>>
    %dma_start3A_39 = arith.constant 0 : i32
    %dma_start3A_40 = arith.constant 0 : i32
    %dma_start3A_41 = tpu.memref_slice %arg2[%dma_start3A_39, %dma_start3A_40] : memref<10240x768xf32, #tpu.memory_space<hbm>> -> memref<10240x768xf32, #tpu.memory_space<hbm>>
    tpu.enqueue_indirect_dma source(%dma_start3A_41 : memref<10240x768xf32, #tpu.memory_space<hbm>>) target(%arg6 : memref<64x768xf32, #tpu.memory_space<vmem>>) offsets(%dma_start3A_38 : memref<64xi32, #tpu.memory_space<vmem>>) semaphore(%arg8 : memref<!tpu.dma_semaphore, #tpu.memory_space<semaphore_mem>>)
    %dma_wait3A_42 = arith.constant 128 : i32
    %dma_wait3A_43 = tpu.memref_slice %arg5[%dma_wait3A_42] : memref<256xi32, #tpu.memory_space<vmem>> -> memref<64xi32, #tpu.memory_space<vmem>>
    %dma_wait3A_44 = arith.constant 0 : i32
    %dma_wait3A_45 = arith.constant 0 : i32
    %dma_wait3A_46 = tpu.memref_slice %arg2[%dma_wait3A_44, %dma_wait3A_45] : memref<10240x768xf32, #tpu.memory_space<hbm>> -> memref<10240x768xf32, #tpu.memory_space<hbm>>
    tpu.wait_indirect_dma semaphore(%arg8 : memref<!tpu.dma_semaphore, #tpu.memory_space<semaphore_mem>>) src(%dma_wait3A_46 : memref<10240x768xf32, #tpu.memory_space<hbm>>) dst(%arg6 : memref<64x768xf32, #tpu.memory_space<vmem>>)
    %add3A_47 = arith.constant 128 : i32
    %add3A_48 = arith.addi %mul3A_2, %add3A_47 : i32
    %dma_start3A_49 = arith.constant 0 : i32
    %dma_start3A_50 = tpu.memref_slice %arg4[%add3A_48, %dma_start3A_49] : memref<8192x768xf32, #tpu.memory_space<hbm>> -> memref<64x768xf32, #tpu.memory_space<hbm>>
    %dma_start3A_51 = arith.constant 0 : i32
    %dma_start3A_52 = tpu.memref_slice %arg4[%add3A_48, %dma_start3A_51] : memref<8192x768xf32, #tpu.memory_space<hbm>> -> memref<64x768xf32, #tpu.memory_space<hbm>>
    tpu.enqueue_dma source(%arg6 : memref<64x768xf32, #tpu.memory_space<vmem>>) target(%dma_start3A_52 : memref<64x768xf32, #tpu.memory_space<hbm>>) target_semaphore(%arg9 : memref<!tpu.dma_semaphore, #tpu.memory_space<semaphore_mem>>)
    %dma_wait3A_53 = arith.constant 0 : i32
    %dma_wait3A_54 = tpu.memref_slice %arg4[%add3A_28, %dma_wait3A_53] : memref<8192x768xf32, #tpu.memory_space<hbm>> -> memref<64x768xf32, #tpu.memory_space<hbm>>
    %dma_wait3A_55 = arith.constant 0 : i32
    %dma_wait3A_56 = tpu.memref_slice %arg4[%add3A_28, %dma_wait3A_55] : memref<8192x768xf32, #tpu.memory_space<hbm>> -> memref<64x768xf32, #tpu.memory_space<hbm>>
    tpu.wait_dma2 semaphore(%arg9 : memref<!tpu.dma_semaphore, #tpu.memory_space<semaphore_mem>>) src(%arg7 : memref<64x768xf32, #tpu.memory_space<vmem>>) dst(%dma_wait3A_56 : memref<64x768xf32, #tpu.memory_space<hbm>>)
    %dma_start3A_57 = arith.constant 192 : i32
    %dma_start3A_58 = tpu.memref_slice %arg5[%dma_start3A_57] : memref<256xi32, #tpu.memory_space<vmem>> -> memref<64xi32, #tpu.memory_space<vmem>>
    %dma_start3A_59 = arith.constant 0 : i32
    %dma_start3A_60 = arith.constant 0 : i32
    %dma_start3A_61 = tpu.memref_slice %arg2[%dma_start3A_59, %dma_start3A_60] : memref<10240x768xf32, #tpu.memory_space<hbm>> -> memref<10240x768xf32, #tpu.memory_space<hbm>>
    tpu.enqueue_indirect_dma source(%dma_start3A_61 : memref<10240x768xf32, #tpu.memory_space<hbm>>) target(%arg7 : memref<64x768xf32, #tpu.memory_space<vmem>>) offsets(%dma_start3A_58 : memref<64xi32, #tpu.memory_space<vmem>>) semaphore(%arg8 : memref<!tpu.dma_semaphore, #tpu.memory_space<semaphore_mem>>)
    %dma_wait3A_62 = arith.constant 192 : i32
    %dma_wait3A_63 = tpu.memref_slice %arg5[%dma_wait3A_62] : memref<256xi32, #tpu.memory_space<vmem>> -> memref<64xi32, #tpu.memory_space<vmem>>
    %dma_wait3A_64 = arith.constant 0 : i32
    %dma_wait3A_65 = arith.constant 0 : i32
    %dma_wait3A_66 = tpu.memref_slice %arg2[%dma_wait3A_64, %dma_wait3A_65] : memref<10240x768xf32, #tpu.memory_space<hbm>> -> memref<10240x768xf32, #tpu.memory_space<hbm>>
    tpu.wait_indirect_dma semaphore(%arg8 : memref<!tpu.dma_semaphore, #tpu.memory_space<semaphore_mem>>) src(%dma_wait3A_66 : memref<10240x768xf32, #tpu.memory_space<hbm>>) dst(%arg7 : memref<64x768xf32, #tpu.memory_space<vmem>>)
    %add3A_67 = arith.constant 192 : i32
    %add3A_68 = arith.addi %mul3A_2, %add3A_67 : i32
    %dma_start3A_69 = arith.constant 0 : i32
    %dma_start3A_70 = tpu.memref_slice %arg4[%add3A_68, %dma_start3A_69] : memref<8192x768xf32, #tpu.memory_space<hbm>> -> memref<64x768xf32, #tpu.memory_space<hbm>>
    %dma_start3A_71 = arith.constant 0 : i32
    %dma_start3A_72 = tpu.memref_slice %arg4[%add3A_68, %dma_start3A_71] : memref<8192x768xf32, #tpu.memory_space<hbm>> -> memref<64x768xf32, #tpu.memory_space<hbm>>
    tpu.enqueue_dma source(%arg7 : memref<64x768xf32, #tpu.memory_space<vmem>>) target(%dma_start3A_72 : memref<64x768xf32, #tpu.memory_space<hbm>>) target_semaphore(%arg9 : memref<!tpu.dma_semaphore, #tpu.memory_space<semaphore_mem>>)
    %dma_wait3A_73 = arith.constant 0 : i32
    %dma_wait3A_74 = tpu.memref_slice %arg4[%add3A_48, %dma_wait3A_73] : memref<8192x768xf32, #tpu.memory_space<hbm>> -> memref<64x768xf32, #tpu.memory_space<hbm>>
    %dma_wait3A_75 = arith.constant 0 : i32
    %dma_wait3A_76 = tpu.memref_slice %arg4[%add3A_48, %dma_wait3A_75] : memref<8192x768xf32, #tpu.memory_space<hbm>> -> memref<64x768xf32, #tpu.memory_space<hbm>>
    tpu.wait_dma2 semaphore(%arg9 : memref<!tpu.dma_semaphore, #tpu.memory_space<semaphore_mem>>) src(%arg6 : memref<64x768xf32, #tpu.memory_space<vmem>>) dst(%dma_wait3A_76 : memref<64x768xf32, #tpu.memory_space<hbm>>)
    %dma_wait3A_77 = arith.constant 0 : i32
    %dma_wait3A_78 = tpu.memref_slice %arg4[%add3A_68, %dma_wait3A_77] : memref<8192x768xf32, #tpu.memory_space<hbm>> -> memref<64x768xf32, #tpu.memory_space<hbm>>
    %dma_wait3A_79 = arith.constant 0 : i32
    %dma_wait3A_80 = tpu.memref_slice %arg4[%add3A_68, %dma_wait3A_79] : memref<8192x768xf32, #tpu.memory_space<hbm>> -> memref<64x768xf32, #tpu.memory_space<hbm>>
    tpu.wait_dma2 semaphore(%arg9 : memref<!tpu.dma_semaphore, #tpu.memory_space<semaphore_mem>>) src(%arg7 : memref<64x768xf32, #tpu.memory_space<vmem>>) dst(%dma_wait3A_80 : memref<64x768xf32, #tpu.memory_space<hbm>>)
    return
  }
}

#map = affine_map<(d0, d1) -> (0, 0)>
#map1 = affine_map<(d0, d1) -> (0, 0, 0)>
module attributes {stable_mosaic.version = 14 : i64} {
  func.func @_sc_scatter_body(%arg0: i32, %arg1: i32, %arg2: memref<4096x768xf32, #tpu.memory_space<hbm>>, %arg3: memref<32x4x64xi32, #tpu.memory_space<hbm>>, %arg4: memref<10248x768xf32, #tpu.memory_space<hbm>>, %arg5: memref<4x64xi32, #tpu.memory_space<vmem>>, %arg6: memref<64x768xf32, #tpu.memory_space<vmem>>, %arg7: memref<64x768xf32, #tpu.memory_space<vmem>>, %arg8: memref<!tpu.dma_semaphore, #tpu.memory_space<semaphore_mem>>, %arg9: memref<!tpu.dma_semaphore, #tpu.memory_space<semaphore_mem>>) attributes {dimension_semantics = [#tpu.dimension_semantics<core_parallel>, #tpu.dimension_semantics<subcore_parallel>], iteration_bounds = array<i64: 2, 16>, scalar_prefetch = 0 : i64, scratch_operands = 5 : i64, tpu.core_type = #tpu.core_type<sc_vector_subcore>, window_params = [{transform_indices = #map}, {transform_indices = #map1}, {transform_indices = #map}]} {
    %mul3A = arith.constant 2 : i32
    %mul3A_0 = arith.muli %arg1, %mul3A : i32
    %add3A = arith.addi %mul3A_0, %arg0 : i32
    %mul3A_1 = arith.constant 256 : i32
    %mul3A_2 = arith.muli %add3A, %mul3A_1 : i32
    "tpu.region"() ({
      %run_scoped3A = tpu.sem_alloc : memref<!tpu.dma_semaphore, #tpu.memory_space<semaphore_mem>>
      %dma_start3A_96 = arith.constant 0 : i32
      %dma_start3A_97 = arith.constant 0 : i32
      %dma_start3A_98 = tpu.memref_slice %arg3[%add3A, %dma_start3A_96, %dma_start3A_97] : memref<32x4x64xi32, #tpu.memory_space<hbm>> -> memref<1x4x64xi32, #tpu.memory_space<hbm>>
      %dma_start3A_99 = tpu.memref_squeeze %dma_start3A_98 : memref<1x4x64xi32, #tpu.memory_space<hbm>> -> memref<4x64xi32, #tpu.memory_space<hbm>>
      %dma_start3A_100 = arith.constant 0 : i32
      %dma_start3A_101 = arith.constant 0 : i32
      %dma_start3A_102 = tpu.memref_slice %arg3[%add3A, %dma_start3A_100, %dma_start3A_101] : memref<32x4x64xi32, #tpu.memory_space<hbm>> -> memref<1x4x64xi32, #tpu.memory_space<hbm>>
      %dma_start3A_103 = tpu.memref_squeeze %dma_start3A_102 : memref<1x4x64xi32, #tpu.memory_space<hbm>> -> memref<4x64xi32, #tpu.memory_space<hbm>>
      tpu.enqueue_dma source(%dma_start3A_103 : memref<4x64xi32, #tpu.memory_space<hbm>>) target(%arg5 : memref<4x64xi32, #tpu.memory_space<vmem>>) target_semaphore(%run_scoped3A : memref<!tpu.dma_semaphore, #tpu.memory_space<semaphore_mem>>)
      %dma_wait3A_104 = arith.constant 0 : i32
      %dma_wait3A_105 = arith.constant 0 : i32
      %dma_wait3A_106 = tpu.memref_slice %arg3[%add3A, %dma_wait3A_104, %dma_wait3A_105] : memref<32x4x64xi32, #tpu.memory_space<hbm>> -> memref<1x4x64xi32, #tpu.memory_space<hbm>>
      %dma_wait3A_107 = tpu.memref_squeeze %dma_wait3A_106 : memref<1x4x64xi32, #tpu.memory_space<hbm>> -> memref<4x64xi32, #tpu.memory_space<hbm>>
      %dma_wait3A_108 = arith.constant 0 : i32
      %dma_wait3A_109 = arith.constant 0 : i32
      %dma_wait3A_110 = tpu.memref_slice %arg3[%add3A, %dma_wait3A_108, %dma_wait3A_109] : memref<32x4x64xi32, #tpu.memory_space<hbm>> -> memref<1x4x64xi32, #tpu.memory_space<hbm>>
      %dma_wait3A_111 = tpu.memref_squeeze %dma_wait3A_110 : memref<1x4x64xi32, #tpu.memory_space<hbm>> -> memref<4x64xi32, #tpu.memory_space<hbm>>
      tpu.wait_dma2 semaphore(%run_scoped3A : memref<!tpu.dma_semaphore, #tpu.memory_space<semaphore_mem>>) src(%dma_wait3A_111 : memref<4x64xi32, #tpu.memory_space<hbm>>) dst(%arg5 : memref<4x64xi32, #tpu.memory_space<vmem>>)
      tpu.yield
    }) : () -> ()
    %rem3A = arith.constant 4096 : i32
    %rem3A_3 = arith.remsi %mul3A_2, %rem3A : i32
    %dma_start3A = arith.constant 0 : i32
    %dma_start3A_4 = tpu.memref_slice %arg2[%rem3A_3, %dma_start3A] : memref<4096x768xf32, #tpu.memory_space<hbm>> -> memref<64x768xf32, #tpu.memory_space<hbm>>
    %dma_start3A_5 = arith.constant 0 : i32
    %dma_start3A_6 = tpu.memref_slice %arg2[%rem3A_3, %dma_start3A_5] : memref<4096x768xf32, #tpu.memory_space<hbm>> -> memref<64x768xf32, #tpu.memory_space<hbm>>
    tpu.enqueue_dma source(%dma_start3A_6 : memref<64x768xf32, #tpu.memory_space<hbm>>) target(%arg6 : memref<64x768xf32, #tpu.memory_space<vmem>>) target_semaphore(%arg8 : memref<!tpu.dma_semaphore, #tpu.memory_space<semaphore_mem>>)
    %dma_wait3A = arith.constant 0 : i32
    %dma_wait3A_7 = tpu.memref_slice %arg2[%rem3A_3, %dma_wait3A] : memref<4096x768xf32, #tpu.memory_space<hbm>> -> memref<64x768xf32, #tpu.memory_space<hbm>>
    %dma_wait3A_8 = arith.constant 0 : i32
    %dma_wait3A_9 = tpu.memref_slice %arg2[%rem3A_3, %dma_wait3A_8] : memref<4096x768xf32, #tpu.memory_space<hbm>> -> memref<64x768xf32, #tpu.memory_space<hbm>>
    tpu.wait_dma2 semaphore(%arg8 : memref<!tpu.dma_semaphore, #tpu.memory_space<semaphore_mem>>) src(%dma_wait3A_9 : memref<64x768xf32, #tpu.memory_space<hbm>>) dst(%arg6 : memref<64x768xf32, #tpu.memory_space<vmem>>)
    %dma_start3A_10 = arith.constant 0 : i32
    %dma_start3A_11 = arith.constant 0 : i32
    %dma_start3A_12 = tpu.memref_slice %arg5[%dma_start3A_10, %dma_start3A_11] : memref<4x64xi32, #tpu.memory_space<vmem>> -> memref<1x64xi32, #tpu.memory_space<vmem>>
    %dma_start3A_13 = tpu.memref_squeeze %dma_start3A_12 : memref<1x64xi32, #tpu.memory_space<vmem>> -> memref<64xi32, #tpu.memory_space<vmem>>
    %dma_start3A_14 = arith.constant 0 : i32
    %dma_start3A_15 = arith.constant 0 : i32
    %dma_start3A_16 = tpu.memref_slice %arg4[%dma_start3A_14, %dma_start3A_15] : memref<10248x768xf32, #tpu.memory_space<hbm>> -> memref<10248x768xf32, #tpu.memory_space<hbm>>
    tpu.enqueue_indirect_dma source(%arg6 : memref<64x768xf32, #tpu.memory_space<vmem>>) target(%dma_start3A_16 : memref<10248x768xf32, #tpu.memory_space<hbm>>) offsets(%dma_start3A_13 : memref<64xi32, #tpu.memory_space<vmem>>) semaphore(%arg9 : memref<!tpu.dma_semaphore, #tpu.memory_space<semaphore_mem>>)
    %add3A_17 = arith.constant 64 : i32
    %add3A_18 = arith.addi %rem3A_3, %add3A_17 : i32
    %dma_start3A_19 = arith.constant 0 : i32
    %dma_start3A_20 = tpu.memref_slice %arg2[%add3A_18, %dma_start3A_19] : memref<4096x768xf32, #tpu.memory_space<hbm>> -> memref<64x768xf32, #tpu.memory_space<hbm>>
    %dma_start3A_21 = arith.constant 0 : i32
    %dma_start3A_22 = tpu.memref_slice %arg2[%add3A_18, %dma_start3A_21] : memref<4096x768xf32, #tpu.memory_space<hbm>> -> memref<64x768xf32, #tpu.memory_space<hbm>>
    tpu.enqueue_dma source(%dma_start3A_22 : memref<64x768xf32, #tpu.memory_space<hbm>>) target(%arg7 : memref<64x768xf32, #tpu.memory_space<vmem>>) target_semaphore(%arg8 : memref<!tpu.dma_semaphore, #tpu.memory_space<semaphore_mem>>)
    %dma_wait3A_23 = arith.constant 0 : i32
    %dma_wait3A_24 = tpu.memref_slice %arg2[%add3A_18, %dma_wait3A_23] : memref<4096x768xf32, #tpu.memory_space<hbm>> -> memref<64x768xf32, #tpu.memory_space<hbm>>
    %dma_wait3A_25 = arith.constant 0 : i32
    %dma_wait3A_26 = tpu.memref_slice %arg2[%add3A_18, %dma_wait3A_25] : memref<4096x768xf32, #tpu.memory_space<hbm>> -> memref<64x768xf32, #tpu.memory_space<hbm>>
    tpu.wait_dma2 semaphore(%arg8 : memref<!tpu.dma_semaphore, #tpu.memory_space<semaphore_mem>>) src(%dma_wait3A_26 : memref<64x768xf32, #tpu.memory_space<hbm>>) dst(%arg7 : memref<64x768xf32, #tpu.memory_space<vmem>>)
    %dma_start3A_27 = arith.constant 1 : i32
    %dma_start3A_28 = arith.constant 0 : i32
    %dma_start3A_29 = tpu.memref_slice %arg5[%dma_start3A_27, %dma_start3A_28] : memref<4x64xi32, #tpu.memory_space<vmem>> -> memref<1x64xi32, #tpu.memory_space<vmem>>
    %dma_start3A_30 = tpu.memref_squeeze %dma_start3A_29 : memref<1x64xi32, #tpu.memory_space<vmem>> -> memref<64xi32, #tpu.memory_space<vmem>>
    %dma_start3A_31 = arith.constant 0 : i32
    %dma_start3A_32 = arith.constant 0 : i32
    %dma_start3A_33 = tpu.memref_slice %arg4[%dma_start3A_31, %dma_start3A_32] : memref<10248x768xf32, #tpu.memory_space<hbm>> -> memref<10248x768xf32, #tpu.memory_space<hbm>>
    tpu.enqueue_indirect_dma source(%arg7 : memref<64x768xf32, #tpu.memory_space<vmem>>) target(%dma_start3A_33 : memref<10248x768xf32, #tpu.memory_space<hbm>>) offsets(%dma_start3A_30 : memref<64xi32, #tpu.memory_space<vmem>>) semaphore(%arg9 : memref<!tpu.dma_semaphore, #tpu.memory_space<semaphore_mem>>)
    %dma_wait3A_34 = arith.constant 0 : i32
    %dma_wait3A_35 = arith.constant 0 : i32
    %dma_wait3A_36 = tpu.memref_slice %arg5[%dma_wait3A_34, %dma_wait3A_35] : memref<4x64xi32, #tpu.memory_space<vmem>> -> memref<1x64xi32, #tpu.memory_space<vmem>>
    %dma_wait3A_37 = tpu.memref_squeeze %dma_wait3A_36 : memref<1x64xi32, #tpu.memory_space<vmem>> -> memref<64xi32, #tpu.memory_space<vmem>>
    %dma_wait3A_38 = arith.constant 0 : i32
    %dma_wait3A_39 = arith.constant 0 : i32
    %dma_wait3A_40 = tpu.memref_slice %arg4[%dma_wait3A_38, %dma_wait3A_39] : memref<10248x768xf32, #tpu.memory_space<hbm>> -> memref<10248x768xf32, #tpu.memory_space<hbm>>
    tpu.wait_indirect_dma semaphore(%arg9 : memref<!tpu.dma_semaphore, #tpu.memory_space<semaphore_mem>>) src(%arg6 : memref<64x768xf32, #tpu.memory_space<vmem>>) dst(%dma_wait3A_40 : memref<10248x768xf32, #tpu.memory_space<hbm>>)
    %add3A_41 = arith.constant 128 : i32
    %add3A_42 = arith.addi %rem3A_3, %add3A_41 : i32
    %dma_start3A_43 = arith.constant 0 : i32
    %dma_start3A_44 = tpu.memref_slice %arg2[%add3A_42, %dma_start3A_43] : memref<4096x768xf32, #tpu.memory_space<hbm>> -> memref<64x768xf32, #tpu.memory_space<hbm>>
    %dma_start3A_45 = arith.constant 0 : i32
    %dma_start3A_46 = tpu.memref_slice %arg2[%add3A_42, %dma_start3A_45] : memref<4096x768xf32, #tpu.memory_space<hbm>> -> memref<64x768xf32, #tpu.memory_space<hbm>>
    tpu.enqueue_dma source(%dma_start3A_46 : memref<64x768xf32, #tpu.memory_space<hbm>>) target(%arg6 : memref<64x768xf32, #tpu.memory_space<vmem>>) target_semaphore(%arg8 : memref<!tpu.dma_semaphore, #tpu.memory_space<semaphore_mem>>)
    %dma_wait3A_47 = arith.constant 0 : i32
    %dma_wait3A_48 = tpu.memref_slice %arg2[%add3A_42, %dma_wait3A_47] : memref<4096x768xf32, #tpu.memory_space<hbm>> -> memref<64x768xf32, #tpu.memory_space<hbm>>
    %dma_wait3A_49 = arith.constant 0 : i32
    %dma_wait3A_50 = tpu.memref_slice %arg2[%add3A_42, %dma_wait3A_49] : memref<4096x768xf32, #tpu.memory_space<hbm>> -> memref<64x768xf32, #tpu.memory_space<hbm>>
    tpu.wait_dma2 semaphore(%arg8 : memref<!tpu.dma_semaphore, #tpu.memory_space<semaphore_mem>>) src(%dma_wait3A_50 : memref<64x768xf32, #tpu.memory_space<hbm>>) dst(%arg6 : memref<64x768xf32, #tpu.memory_space<vmem>>)
    %dma_start3A_51 = arith.constant 2 : i32
    %dma_start3A_52 = arith.constant 0 : i32
    %dma_start3A_53 = tpu.memref_slice %arg5[%dma_start3A_51, %dma_start3A_52] : memref<4x64xi32, #tpu.memory_space<vmem>> -> memref<1x64xi32, #tpu.memory_space<vmem>>
    %dma_start3A_54 = tpu.memref_squeeze %dma_start3A_53 : memref<1x64xi32, #tpu.memory_space<vmem>> -> memref<64xi32, #tpu.memory_space<vmem>>
    %dma_start3A_55 = arith.constant 0 : i32
    %dma_start3A_56 = arith.constant 0 : i32
    %dma_start3A_57 = tpu.memref_slice %arg4[%dma_start3A_55, %dma_start3A_56] : memref<10248x768xf32, #tpu.memory_space<hbm>> -> memref<10248x768xf32, #tpu.memory_space<hbm>>
    tpu.enqueue_indirect_dma source(%arg6 : memref<64x768xf32, #tpu.memory_space<vmem>>) target(%dma_start3A_57 : memref<10248x768xf32, #tpu.memory_space<hbm>>) offsets(%dma_start3A_54 : memref<64xi32, #tpu.memory_space<vmem>>) semaphore(%arg9 : memref<!tpu.dma_semaphore, #tpu.memory_space<semaphore_mem>>)
    %dma_wait3A_58 = arith.constant 1 : i32
    %dma_wait3A_59 = arith.constant 0 : i32
    %dma_wait3A_60 = tpu.memref_slice %arg5[%dma_wait3A_58, %dma_wait3A_59] : memref<4x64xi32, #tpu.memory_space<vmem>> -> memref<1x64xi32, #tpu.memory_space<vmem>>
    %dma_wait3A_61 = tpu.memref_squeeze %dma_wait3A_60 : memref<1x64xi32, #tpu.memory_space<vmem>> -> memref<64xi32, #tpu.memory_space<vmem>>
    %dma_wait3A_62 = arith.constant 0 : i32
    %dma_wait3A_63 = arith.constant 0 : i32
    %dma_wait3A_64 = tpu.memref_slice %arg4[%dma_wait3A_62, %dma_wait3A_63] : memref<10248x768xf32, #tpu.memory_space<hbm>> -> memref<10248x768xf32, #tpu.memory_space<hbm>>
    tpu.wait_indirect_dma semaphore(%arg9 : memref<!tpu.dma_semaphore, #tpu.memory_space<semaphore_mem>>) src(%arg7 : memref<64x768xf32, #tpu.memory_space<vmem>>) dst(%dma_wait3A_64 : memref<10248x768xf32, #tpu.memory_space<hbm>>)
    %add3A_65 = arith.constant 192 : i32
    %add3A_66 = arith.addi %rem3A_3, %add3A_65 : i32
    %dma_start3A_67 = arith.constant 0 : i32
    %dma_start3A_68 = tpu.memref_slice %arg2[%add3A_66, %dma_start3A_67] : memref<4096x768xf32, #tpu.memory_space<hbm>> -> memref<64x768xf32, #tpu.memory_space<hbm>>
    %dma_start3A_69 = arith.constant 0 : i32
    %dma_start3A_70 = tpu.memref_slice %arg2[%add3A_66, %dma_start3A_69] : memref<4096x768xf32, #tpu.memory_space<hbm>> -> memref<64x768xf32, #tpu.memory_space<hbm>>
    tpu.enqueue_dma source(%dma_start3A_70 : memref<64x768xf32, #tpu.memory_space<hbm>>) target(%arg7 : memref<64x768xf32, #tpu.memory_space<vmem>>) target_semaphore(%arg8 : memref<!tpu.dma_semaphore, #tpu.memory_space<semaphore_mem>>)
    %dma_wait3A_71 = arith.constant 0 : i32
    %dma_wait3A_72 = tpu.memref_slice %arg2[%add3A_66, %dma_wait3A_71] : memref<4096x768xf32, #tpu.memory_space<hbm>> -> memref<64x768xf32, #tpu.memory_space<hbm>>
    %dma_wait3A_73 = arith.constant 0 : i32
    %dma_wait3A_74 = tpu.memref_slice %arg2[%add3A_66, %dma_wait3A_73] : memref<4096x768xf32, #tpu.memory_space<hbm>> -> memref<64x768xf32, #tpu.memory_space<hbm>>
    tpu.wait_dma2 semaphore(%arg8 : memref<!tpu.dma_semaphore, #tpu.memory_space<semaphore_mem>>) src(%dma_wait3A_74 : memref<64x768xf32, #tpu.memory_space<hbm>>) dst(%arg7 : memref<64x768xf32, #tpu.memory_space<vmem>>)
    %dma_start3A_75 = arith.constant 3 : i32
    %dma_start3A_76 = arith.constant 0 : i32
    %dma_start3A_77 = tpu.memref_slice %arg5[%dma_start3A_75, %dma_start3A_76] : memref<4x64xi32, #tpu.memory_space<vmem>> -> memref<1x64xi32, #tpu.memory_space<vmem>>
    %dma_start3A_78 = tpu.memref_squeeze %dma_start3A_77 : memref<1x64xi32, #tpu.memory_space<vmem>> -> memref<64xi32, #tpu.memory_space<vmem>>
    %dma_start3A_79 = arith.constant 0 : i32
    %dma_start3A_80 = arith.constant 0 : i32
    %dma_start3A_81 = tpu.memref_slice %arg4[%dma_start3A_79, %dma_start3A_80] : memref<10248x768xf32, #tpu.memory_space<hbm>> -> memref<10248x768xf32, #tpu.memory_space<hbm>>
    tpu.enqueue_indirect_dma source(%arg7 : memref<64x768xf32, #tpu.memory_space<vmem>>) target(%dma_start3A_81 : memref<10248x768xf32, #tpu.memory_space<hbm>>) offsets(%dma_start3A_78 : memref<64xi32, #tpu.memory_space<vmem>>) semaphore(%arg9 : memref<!tpu.dma_semaphore, #tpu.memory_space<semaphore_mem>>)
    %dma_wait3A_82 = arith.constant 2 : i32
    %dma_wait3A_83 = arith.constant 0 : i32
    %dma_wait3A_84 = tpu.memref_slice %arg5[%dma_wait3A_82, %dma_wait3A_83] : memref<4x64xi32, #tpu.memory_space<vmem>> -> memref<1x64xi32, #tpu.memory_space<vmem>>
    %dma_wait3A_85 = tpu.memref_squeeze %dma_wait3A_84 : memref<1x64xi32, #tpu.memory_space<vmem>> -> memref<64xi32, #tpu.memory_space<vmem>>
    %dma_wait3A_86 = arith.constant 0 : i32
    %dma_wait3A_87 = arith.constant 0 : i32
    %dma_wait3A_88 = tpu.memref_slice %arg4[%dma_wait3A_86, %dma_wait3A_87] : memref<10248x768xf32, #tpu.memory_space<hbm>> -> memref<10248x768xf32, #tpu.memory_space<hbm>>
    tpu.wait_indirect_dma semaphore(%arg9 : memref<!tpu.dma_semaphore, #tpu.memory_space<semaphore_mem>>) src(%arg6 : memref<64x768xf32, #tpu.memory_space<vmem>>) dst(%dma_wait3A_88 : memref<10248x768xf32, #tpu.memory_space<hbm>>)
    %dma_wait3A_89 = arith.constant 3 : i32
    %dma_wait3A_90 = arith.constant 0 : i32
    %dma_wait3A_91 = tpu.memref_slice %arg5[%dma_wait3A_89, %dma_wait3A_90] : memref<4x64xi32, #tpu.memory_space<vmem>> -> memref<1x64xi32, #tpu.memory_space<vmem>>
    %dma_wait3A_92 = tpu.memref_squeeze %dma_wait3A_91 : memref<1x64xi32, #tpu.memory_space<vmem>> -> memref<64xi32, #tpu.memory_space<vmem>>
    %dma_wait3A_93 = arith.constant 0 : i32
    %dma_wait3A_94 = arith.constant 0 : i32
    %dma_wait3A_95 = tpu.memref_slice %arg4[%dma_wait3A_93, %dma_wait3A_94] : memref<10248x768xf32, #tpu.memory_space<hbm>> -> memref<10248x768xf32, #tpu.memory_space<hbm>>
    tpu.wait_indirect_dma semaphore(%arg9 : memref<!tpu.dma_semaphore, #tpu.memory_space<semaphore_mem>>) src(%arg7 : memref<64x768xf32, #tpu.memory_space<vmem>>) dst(%dma_wait3A_95 : memref<10248x768xf32, #tpu.memory_space<hbm>>)
    return
  }
}

module attributes {stable_mosaic.version = 14 : i64} {
  func.func @_router_body(%arg0: i32, %arg1: memref<256x768xf32, #tpu.memory_space<vmem>>, %arg2: memref<8x768xf32, #tpu.memory_space<vmem>>, %arg3: memref<256x2xi32, #tpu.memory_space<vmem>>, %arg4: memref<256x1xi32, #tpu.memory_space<vmem>>, %arg5: memref<256x1xi32, #tpu.memory_space<vmem>>, %arg6: memref<256x1xi32, #tpu.memory_space<vmem>>, %arg7: memref<256x1xi32, #tpu.memory_space<vmem>>, %arg8: memref<256x1xf32, #tpu.memory_space<vmem>>, %arg9: memref<256x1xf32, #tpu.memory_space<vmem>>, %arg10: memref<1x1xf32, #tpu.memory_space<vmem>>, %arg11: memref<1x8xf32, #tpu.memory_space<vmem>>, %arg12: memref<1x8xf32, #tpu.memory_space<vmem>>, %arg13: memref<1x8xf32, #tpu.memory_space<vmem>>, %arg14: memref<1x1xf32, #tpu.memory_space<vmem>>) attributes {dimension_semantics = [#tpu.dimension_semantics<arbitrary>], iteration_bounds = array<i64: 16>, scalar_prefetch = 0 : i64, scratch_operands = 4 : i64, tpu.core_type = #tpu.core_type<tc>, window_params = [{transform_indices = @transform_0, window_bounds = array<i64: 256, 768>}, {pipeline_mode = #tpu.pipeline_mode<synchronous>, transform_indices = @transform_1, window_bounds = array<i64: 8, 768>}, {transform_indices = @transform_2, window_bounds = array<i64: 256, 2>}, {transform_indices = @transform_3, window_bounds = array<i64: 256, 1>}, {transform_indices = @transform_4, window_bounds = array<i64: 256, 1>}, {transform_indices = @transform_5, window_bounds = array<i64: 256, 1>}, {transform_indices = @transform_6, window_bounds = array<i64: 256, 1>}, {transform_indices = @transform_7, window_bounds = array<i64: 256, 1>}, {transform_indices = @transform_8, window_bounds = array<i64: 256, 1>}, {pipeline_mode = #tpu.pipeline_mode<synchronous>, transform_indices = @transform_9, window_bounds = array<i64: 1, 1>}]} {
    %eq3A = arith.constant 0 : i32
    %eq3A_0 = arith.cmpi eq, %arg0, %eq3A : i32
    %convert_element_type3A = arith.extui %eq3A_0 : i1 to i32
    %cond3A = arith.constant 0 : i32
    %cond3A_1 = arith.cmpi ne, %convert_element_type3A, %cond3A : i32
    scf.if %cond3A_1 {
      %broadcast_in_dim3A_251 = arith.constant 0.000000e+00 : f32
      %broadcast_in_dim3A_252 = vector.broadcast %broadcast_in_dim3A_251 : f32 to vector<1x8xf32>
      %swap3A_253 = arith.constant 0 : index
      %swap3A_254 = arith.constant 0 : index
      %swap3A_255 = vector.load %arg11[%swap3A_253, %swap3A_254] : memref<1x8xf32, #tpu.memory_space<vmem>>, vector<1x8xf32>
      tpu.vector_store %arg11[%swap3A_253, %swap3A_254], %broadcast_in_dim3A_252 {strides = array<i32>} : memref<1x8xf32, #tpu.memory_space<vmem>>, vector<1x8xf32>,
      %broadcast_in_dim3A_256 = arith.constant 0.000000e+00 : f32
      %broadcast_in_dim3A_257 = vector.broadcast %broadcast_in_dim3A_256 : f32 to vector<1x8xf32>
      %swap3A_258 = arith.constant 0 : index
      %swap3A_259 = arith.constant 0 : index
      %swap3A_260 = vector.load %arg12[%swap3A_258, %swap3A_259] : memref<1x8xf32, #tpu.memory_space<vmem>>, vector<1x8xf32>
      tpu.vector_store %arg12[%swap3A_258, %swap3A_259], %broadcast_in_dim3A_257 {strides = array<i32>} : memref<1x8xf32, #tpu.memory_space<vmem>>, vector<1x8xf32>,
      %broadcast_in_dim3A_261 = arith.constant 0.000000e+00 : f32
      %broadcast_in_dim3A_262 = vector.broadcast %broadcast_in_dim3A_261 : f32 to vector<1x8xf32>
      %swap3A_263 = arith.constant 0 : index
      %swap3A_264 = arith.constant 0 : index
      %swap3A_265 = vector.load %arg13[%swap3A_263, %swap3A_264] : memref<1x8xf32, #tpu.memory_space<vmem>>, vector<1x8xf32>
      tpu.vector_store %arg13[%swap3A_263, %swap3A_264], %broadcast_in_dim3A_262 {strides = array<i32>} : memref<1x8xf32, #tpu.memory_space<vmem>>, vector<1x8xf32>,
      %broadcast_in_dim3A_266 = arith.constant 0.000000e+00 : f32
      %broadcast_in_dim3A_267 = vector.broadcast %broadcast_in_dim3A_266 : f32 to vector<1x1xf32>
      %swap3A_268 = arith.constant 0 : index
      %swap3A_269 = arith.constant 0 : index
      %swap3A_270 = vector.load %arg14[%swap3A_268, %swap3A_269] : memref<1x1xf32, #tpu.memory_space<vmem>>, vector<1x1xf32>
      tpu.vector_store %arg14[%swap3A_268, %swap3A_269], %broadcast_in_dim3A_267 {strides = array<i32>} : memref<1x1xf32, #tpu.memory_space<vmem>>, vector<1x1xf32>,
    } else {
    }
    %get3A = arith.constant 0 : index
    %get3A_2 = arith.constant 0 : index
    %get3A_3 = vector.load %arg1[%get3A, %get3A_2] : memref<256x768xf32, #tpu.memory_space<vmem>>, vector<256x768xf32>
    %get3A_4 = arith.constant 0 : index
    %get3A_5 = arith.constant 0 : index
    %get3A_6 = vector.load %arg2[%get3A_4, %get3A_5] : memref<8x768xf32, #tpu.memory_space<vmem>>, vector<8x768xf32>
    %dot_general3A = arith.constant dense<0.000000e+00> : vector<256x8xf32>
    %dot_general3A_7 = tpu.matmul %get3A_3, %get3A_6, %dot_general3A {dimension_numbers = #tpu.dot_dimension_numbers<[1], [1], [0], [0], [0, 0, 1, 0], [], []>, transpose_lhs_hint = false} : vector<256x768xf32>, vector<8x768xf32>, vector<256x8xf32> -> vector<256x8xf32>
    %iota3A = tpu.iota {dimensions = array<i32: 1>} : vector<256x8xi32>
    %convert_element_type3A_8 = arith.sitofp %iota3A : vector<256x8xi32> to vector<256x8xf32>
    %reduce_max3A = arith.constant dense<0xFF800000> : vector<256xf32>
    %reduce_max3A_9 = vector.multi_reduction <maximumf>, %dot_general3A_7, %reduce_max3A [1] : vector<256x8xf32> to vector<256xf32>
    %broadcast_in_dim3A = vector.shape_cast %reduce_max3A_9 : vector<256xf32> to vector<256x1xf32>
    %eq3A_10 = vector.broadcast %broadcast_in_dim3A : vector<256x1xf32> to vector<256x8xf32>
    %eq3A_11 = arith.cmpf oeq, %dot_general3A_7, %eq3A_10 : vector<256x8xf32>
    %jit3A = arith.constant 1.000000e+09 : f32
    %broadcast_in_dim3A_12 = vector.broadcast %jit3A : f32 to vector<256x8xf32>
    %select_n3A = arith.select %eq3A_11, %convert_element_type3A_8, %broadcast_in_dim3A_12 : vector<256x8xi1>, vector<256x8xf32>
    %reduce_min3A = arith.constant dense<0x7F800000> : vector<256xf32>
    %reduce_min3A_13 = vector.multi_reduction <minimumf>, %select_n3A, %reduce_min3A [1] : vector<256x8xf32> to vector<256xf32>
    %broadcast_in_dim3A_14 = vector.shape_cast %reduce_min3A_13 : vector<256xf32> to vector<256x1xf32>
    %eq3A_15 = vector.broadcast %broadcast_in_dim3A_14 : vector<256x1xf32> to vector<256x8xf32>
    %eq3A_16 = arith.cmpf oeq, %convert_element_type3A_8, %eq3A_15 : vector<256x8xf32>
    %convert_element_type3A_17 = arith.extui %eq3A_16 : vector<256x8xi1> to vector<256x8xi32>
    %convert_element_type3A_18 = arith.sitofp %convert_element_type3A_17 : vector<256x8xi32> to vector<256x8xf32>
    %gt3A = arith.constant 0.000000e+00 : f32
    %gt3A_19 = vector.broadcast %gt3A : f32 to vector<256x8xf32>
    %gt3A_20 = arith.cmpf ogt, %convert_element_type3A_18, %gt3A_19 : vector<256x8xf32>
    %jit3A_21 = arith.constant 0xFF800000 : f32
    %broadcast_in_dim3A_22 = vector.broadcast %jit3A_21 : f32 to vector<256x8xf32>
    %select_n3A_23 = arith.select %gt3A_20, %broadcast_in_dim3A_22, %dot_general3A_7 : vector<256x8xi1>, vector<256x8xf32>
    %reduce_max3A_24 = arith.constant dense<0xFF800000> : vector<256xf32>
    %reduce_max3A_25 = vector.multi_reduction <maximumf>, %select_n3A_23, %reduce_max3A_24 [1] : vector<256x8xf32> to vector<256xf32>
    %broadcast_in_dim3A_26 = vector.shape_cast %reduce_max3A_25 : vector<256xf32> to vector<256x1xf32>
    %eq3A_27 = vector.broadcast %broadcast_in_dim3A_26 : vector<256x1xf32> to vector<256x8xf32>
    %eq3A_28 = arith.cmpf oeq, %select_n3A_23, %eq3A_27 : vector<256x8xf32>
    %jit3A_29 = arith.constant 1.000000e+09 : f32
    %broadcast_in_dim3A_30 = vector.broadcast %jit3A_29 : f32 to vector<256x8xf32>
    %select_n3A_31 = arith.select %eq3A_28, %convert_element_type3A_8, %broadcast_in_dim3A_30 : vector<256x8xi1>, vector<256x8xf32>
    %reduce_min3A_32 = arith.constant dense<0x7F800000> : vector<256xf32>
    %reduce_min3A_33 = vector.multi_reduction <minimumf>, %select_n3A_31, %reduce_min3A_32 [1] : vector<256x8xf32> to vector<256xf32>
    %broadcast_in_dim3A_34 = vector.shape_cast %reduce_min3A_33 : vector<256xf32> to vector<256x1xf32>
    %eq3A_35 = vector.broadcast %broadcast_in_dim3A_34 : vector<256x1xf32> to vector<256x8xf32>
    %eq3A_36 = arith.cmpf oeq, %convert_element_type3A_8, %eq3A_35 : vector<256x8xf32>
    %convert_element_type3A_37 = arith.extui %eq3A_36 : vector<256x8xi1> to vector<256x8xi32>
    %convert_element_type3A_38 = arith.sitofp %convert_element_type3A_37 : vector<256x8xi32> to vector<256x8xf32>
    %sub3A = arith.subf %broadcast_in_dim3A_26, %broadcast_in_dim3A : vector<256x1xf32>
    %exp3A = math.exp %sub3A : vector<256x1xf32>
    %add3A = arith.constant 1.000000e+00 : f32
    %add3A_39 = vector.broadcast %add3A : f32 to vector<256x1xf32>
    %add3A_40 = arith.addf %add3A_39, %exp3A : vector<256x1xf32>
    %div3A = arith.constant 1.000000e+00 : f32
    %div3A_41 = vector.broadcast %div3A : f32 to vector<256x1xf32>
    %div3A_42 = arith.divf %div3A_41, %add3A_40 : vector<256x1xf32>
    %sub3A_43 = arith.constant 1.000000e+00 : f32
    %sub3A_44 = vector.broadcast %sub3A_43 : f32 to vector<256x1xf32>
    %sub3A_45 = arith.subf %sub3A_44, %div3A_42 : vector<256x1xf32>
    %sub3A_46 = vector.broadcast %broadcast_in_dim3A : vector<256x1xf32> to vector<256x8xf32>
    %sub3A_47 = arith.subf %dot_general3A_7, %sub3A_46 : vector<256x8xf32>
    %exp3A_48 = math.exp %sub3A_47 : vector<256x8xf32>
    %reduce_sum3A = arith.constant dense<0.000000e+00> : vector<256xf32>
    %reduce_sum3A_49 = vector.multi_reduction <add>, %exp3A_48, %reduce_sum3A [1] : vector<256x8xf32> to vector<256xf32>
    %broadcast_in_dim3A_50 = vector.shape_cast %reduce_sum3A_49 : vector<256xf32> to vector<256x1xf32>
    %div3A_51 = vector.broadcast %broadcast_in_dim3A_50 : vector<256x1xf32> to vector<256x8xf32>
    %div3A_52 = arith.divf %exp3A_48, %div3A_51 : vector<256x8xf32>
    %get3A_53 = arith.constant 0 : index
    %get3A_54 = arith.constant 0 : index
    %get3A_55 = vector.load %arg12[%get3A_53, %get3A_54] : memref<1x8xf32, #tpu.memory_space<vmem>>, vector<1x8xf32>
    %reduce_sum3A_56 = arith.constant dense<0.000000e+00> : vector<8xf32>
    %reduce_sum3A_57 = vector.multi_reduction <add>, %div3A_52, %reduce_sum3A_56 [0] : vector<256x8xf32> to vector<8xf32>
    %broadcast_in_dim3A_58 = vector.shape_cast %reduce_sum3A_57 : vector<8xf32> to vector<1x8xf32>
    %add3A_59 = arith.addf %get3A_55, %broadcast_in_dim3A_58 : vector<1x8xf32>
    %swap3A = arith.constant 0 : index
    %swap3A_60 = arith.constant 0 : index
    %swap3A_61 = vector.load %arg12[%swap3A, %swap3A_60] : memref<1x8xf32, #tpu.memory_space<vmem>>, vector<1x8xf32>
    tpu.vector_store %arg12[%swap3A, %swap3A_60], %add3A_59 {strides = array<i32>} : memref<1x8xf32, #tpu.memory_space<vmem>>, vector<1x8xf32>,
    %get3A_62 = arith.constant 0 : index
    %get3A_63 = arith.constant 0 : index
    %get3A_64 = vector.load %arg13[%get3A_62, %get3A_63] : memref<1x8xf32, #tpu.memory_space<vmem>>, vector<1x8xf32>
    %reduce_sum3A_65 = arith.constant dense<0.000000e+00> : vector<8xf32>
    %reduce_sum3A_66 = vector.multi_reduction <add>, %convert_element_type3A_18, %reduce_sum3A_65 [0] : vector<256x8xf32> to vector<8xf32>
    %broadcast_in_dim3A_67 = vector.shape_cast %reduce_sum3A_66 : vector<8xf32> to vector<1x8xf32>
    %add3A_68 = arith.addf %get3A_64, %broadcast_in_dim3A_67 : vector<1x8xf32>
    %swap3A_69 = arith.constant 0 : index
    %swap3A_70 = arith.constant 0 : index
    %swap3A_71 = vector.load %arg13[%swap3A_69, %swap3A_70] : memref<1x8xf32, #tpu.memory_space<vmem>>, vector<1x8xf32>
    tpu.vector_store %arg13[%swap3A_69, %swap3A_70], %add3A_68 {strides = array<i32>} : memref<1x8xf32, #tpu.memory_space<vmem>>, vector<1x8xf32>,
    %log3A = math.log %broadcast_in_dim3A_50 : vector<256x1xf32>
    %add3A_72 = arith.addf %broadcast_in_dim3A, %log3A : vector<256x1xf32>
    %get3A_73 = arith.constant 0 : index
    %get3A_74 = arith.constant 0 : index
    %get3A_75 = vector.load %arg14[%get3A_73, %get3A_74] : memref<1x1xf32, #tpu.memory_space<vmem>>, vector<1x1xf32>
    %mul3A = arith.mulf %add3A_72, %add3A_72 : vector<256x1xf32>
    %reduce_sum3A_76 = vector.shape_cast %mul3A : vector<256x1xf32> to vector<1x256x1xf32>
    %reduce_sum3A_77 = arith.constant dense<0.000000e+00> : vector<1xf32>
    %reduce_sum3A_78 = vector.multi_reduction <add>, %reduce_sum3A_76, %reduce_sum3A_77 [1, 2] : vector<1x256x1xf32> to vector<1xf32>
    %reduce_sum3A_79 = vector.shape_cast %reduce_sum3A_78 : vector<1xf32> to vector<1x1x1xf32>
    %reduce_sum3A_80 = vector.extract %reduce_sum3A_79[0, 0, 0] : f32 from vector<1x1x1xf32>
    %broadcast_in_dim3A_81 = vector.broadcast %reduce_sum3A_80 : f32 to vector<1x1xf32>
    %add3A_82 = arith.addf %get3A_75, %broadcast_in_dim3A_81 : vector<1x1xf32>
    %swap3A_83 = arith.constant 0 : index
    %swap3A_84 = arith.constant 0 : index
    %swap3A_85 = vector.load %arg14[%swap3A_83, %swap3A_84] : memref<1x1xf32, #tpu.memory_space<vmem>>, vector<1x1xf32>
    tpu.vector_store %arg14[%swap3A_83, %swap3A_84], %add3A_82 {strides = array<i32>} : memref<1x1xf32, #tpu.memory_space<vmem>>, vector<1x1xf32>,
    %add3A_86 = arith.addf %convert_element_type3A_18, %convert_element_type3A_38 : vector<256x8xf32>
    %iota3A_87 = tpu.iota {dimensions = array<i32: 0>} : vector<256x256xi32>
    %iota3A_88 = tpu.iota {dimensions = array<i32: 1>} : vector<256x256xi32>
    %gt3A_89 = arith.cmpi sgt, %iota3A_87, %iota3A_88 : vector<256x256xi32>
    %convert_element_type3A_90 = arith.extui %gt3A_89 : vector<256x256xi1> to vector<256x256xi32>
    %convert_element_type3A_91 = arith.sitofp %convert_element_type3A_90 : vector<256x256xi32> to vector<256x256xf32>
    %dot_general3A_92 = arith.constant dense<0.000000e+00> : vector<256x8xf32>
    %dot_general3A_93 = tpu.matmul %convert_element_type3A_91, %add3A_86, %dot_general3A_92 {dimension_numbers = #tpu.dot_dimension_numbers<[1], [0], [0], [1], [0, 0, 1, 1], [], []>, transpose_lhs_hint = false} : vector<256x256xf32>, vector<256x8xf32>, vector<256x8xf32> -> vector<256x8xf32>
    %get3A_94 = arith.constant 0 : index
    %get3A_95 = arith.constant 0 : index
    %get3A_96 = vector.load %arg11[%get3A_94, %get3A_95] : memref<1x8xf32, #tpu.memory_space<vmem>>, vector<1x8xf32>
    %add3A_97 = vector.broadcast %get3A_96 : vector<1x8xf32> to vector<256x8xf32>
    %add3A_98 = arith.addf %dot_general3A_93, %add3A_97 : vector<256x8xf32>
    %mul3A_99 = arith.mulf %add3A_98, %convert_element_type3A_18 : vector<256x8xf32>
    %reduce_sum3A_100 = arith.constant dense<0.000000e+00> : vector<256xf32>
    %reduce_sum3A_101 = vector.multi_reduction <add>, %mul3A_99, %reduce_sum3A_100 [1] : vector<256x8xf32> to vector<256xf32>
    %broadcast_in_dim3A_102 = vector.shape_cast %reduce_sum3A_101 : vector<256xf32> to vector<256x1xf32>
    %mul3A_103 = arith.mulf %add3A_98, %convert_element_type3A_38 : vector<256x8xf32>
    %reduce_sum3A_104 = arith.constant dense<0.000000e+00> : vector<256xf32>
    %reduce_sum3A_105 = vector.multi_reduction <add>, %mul3A_103, %reduce_sum3A_104 [1] : vector<256x8xf32> to vector<256xf32>
    %broadcast_in_dim3A_106 = vector.shape_cast %reduce_sum3A_105 : vector<256xf32> to vector<256x1xf32>
    %mul3A_107 = arith.mulf %convert_element_type3A_18, %convert_element_type3A_38 : vector<256x8xf32>
    %reduce_sum3A_108 = arith.constant dense<0.000000e+00> : vector<256xf32>
    %reduce_sum3A_109 = vector.multi_reduction <add>, %mul3A_107, %reduce_sum3A_108 [1] : vector<256x8xf32> to vector<256xf32>
    %broadcast_in_dim3A_110 = vector.shape_cast %reduce_sum3A_109 : vector<256xf32> to vector<256x1xf32>
    %add3A_111 = arith.addf %broadcast_in_dim3A_106, %broadcast_in_dim3A_110 : vector<256x1xf32>
    %get3A_112 = arith.constant 0 : index
    %get3A_113 = arith.constant 0 : index
    %get3A_114 = vector.load %arg11[%get3A_112, %get3A_113] : memref<1x8xf32, #tpu.memory_space<vmem>>, vector<1x8xf32>
    %reduce_sum3A_115 = arith.constant dense<0.000000e+00> : vector<8xf32>
    %reduce_sum3A_116 = vector.multi_reduction <add>, %add3A_86, %reduce_sum3A_115 [0] : vector<256x8xf32> to vector<8xf32>
    %broadcast_in_dim3A_117 = vector.shape_cast %reduce_sum3A_116 : vector<8xf32> to vector<1x8xf32>
    %add3A_118 = arith.addf %get3A_114, %broadcast_in_dim3A_117 : vector<1x8xf32>
    %swap3A_119 = arith.constant 0 : index
    %swap3A_120 = arith.constant 0 : index
    %swap3A_121 = vector.load %arg11[%swap3A_119, %swap3A_120] : memref<1x8xf32, #tpu.memory_space<vmem>>, vector<1x8xf32>
    tpu.vector_store %arg11[%swap3A_119, %swap3A_120], %add3A_118 {strides = array<i32>} : memref<1x8xf32, #tpu.memory_space<vmem>>, vector<1x8xf32>,
    %lt3A = arith.constant 1.280000e+03 : f32
    %lt3A_122 = vector.broadcast %lt3A : f32 to vector<256x1xf32>
    %lt3A_123 = arith.cmpf olt, %broadcast_in_dim3A_102, %lt3A_122 : vector<256x1xf32>
    %convert_element_type3A_124 = arith.extui %lt3A_123 : vector<256x1xi1> to vector<256x1xi32>
    %convert_element_type3A_125 = arith.sitofp %convert_element_type3A_124 : vector<256x1xi32> to vector<256x1xf32>
    %lt3A_126 = arith.constant 1.280000e+03 : f32
    %lt3A_127 = vector.broadcast %lt3A_126 : f32 to vector<256x1xf32>
    %lt3A_128 = arith.cmpf olt, %add3A_111, %lt3A_127 : vector<256x1xf32>
    %convert_element_type3A_129 = arith.extui %lt3A_128 : vector<256x1xi1> to vector<256x1xi32>
    %convert_element_type3A_130 = arith.sitofp %convert_element_type3A_129 : vector<256x1xi32> to vector<256x1xf32>
    %min3A = arith.constant 1.279000e+03 : f32
    %min3A_131 = vector.broadcast %min3A : f32 to vector<256x1xf32>
    %min3A_132 = arith.minimumf %broadcast_in_dim3A_102, %min3A_131 : vector<256x1xf32>
    %min3A_133 = arith.constant 1.279000e+03 : f32
    %min3A_134 = vector.broadcast %min3A_133 : f32 to vector<256x1xf32>
    %min3A_135 = arith.minimumf %add3A_111, %min3A_134 : vector<256x1xf32>
    %mul3A_136 = arith.mulf %convert_element_type3A_8, %convert_element_type3A_18 : vector<256x8xf32>
    %reduce_sum3A_137 = arith.constant dense<0.000000e+00> : vector<256xf32>
    %reduce_sum3A_138 = vector.multi_reduction <add>, %mul3A_136, %reduce_sum3A_137 [1] : vector<256x8xf32> to vector<256xf32>
    %broadcast_in_dim3A_139 = vector.shape_cast %reduce_sum3A_138 : vector<256xf32> to vector<256x1xf32>
    %mul3A_140 = arith.mulf %convert_element_type3A_8, %convert_element_type3A_38 : vector<256x8xf32>
    %reduce_sum3A_141 = arith.constant dense<0.000000e+00> : vector<256xf32>
    %reduce_sum3A_142 = vector.multi_reduction <add>, %mul3A_140, %reduce_sum3A_141 [1] : vector<256x8xf32> to vector<256xf32>
    %broadcast_in_dim3A_143 = vector.shape_cast %reduce_sum3A_142 : vector<256xf32> to vector<256x1xf32>
    %mul3A_144 = arith.constant 1.280000e+03 : f32
    %mul3A_145 = vector.broadcast %mul3A_144 : f32 to vector<256x1xf32>
    %mul3A_146 = arith.mulf %broadcast_in_dim3A_139, %mul3A_145 : vector<256x1xf32>
    %add3A_147 = arith.addf %mul3A_146, %min3A_132 : vector<256x1xf32>
    %mul3A_148 = arith.constant 1.280000e+03 : f32
    %mul3A_149 = vector.broadcast %mul3A_148 : f32 to vector<256x1xf32>
    %mul3A_150 = arith.mulf %broadcast_in_dim3A_143, %mul3A_149 : vector<256x1xf32>
    %add3A_151 = arith.addf %mul3A_150, %min3A_135 : vector<256x1xf32>
    %iota3A_152 = tpu.iota {dimensions = array<i32: 0>} : vector<256x1xi32>
    %convert_element_type3A_153 = arith.sitofp %iota3A_152 : vector<256x1xi32> to vector<256x1xf32>
    %jit3A_154 = arith.constant 8.000000e+00 : f32
    %rem3A = vector.broadcast %jit3A_154 : f32 to vector<256x1xf32>
    %rem3A_155 = arith.remf %convert_element_type3A_153, %rem3A : vector<256x1xf32>
    %ne3A = arith.constant 0.000000e+00 : f32
    %ne3A_156 = vector.broadcast %ne3A : f32 to vector<256x1xf32>
    %ne3A_157 = arith.cmpf one, %rem3A_155, %ne3A_156 : vector<256x1xf32>
    %lt3A_158 = arith.constant 0.000000e+00 : f32
    %lt3A_159 = vector.broadcast %lt3A_158 : f32 to vector<256x1xf32>
    %lt3A_160 = arith.cmpf olt, %rem3A_155, %lt3A_159 : vector<256x1xf32>
    %lt3A_161 = arith.constant 0.000000e+00 : f32
    %lt3A_162 = arith.cmpf olt, %jit3A_154, %lt3A_161 : f32
    %ne3A_163 = vector.broadcast %lt3A_162 : i1 to vector<256x1xi1>
    %ne3A_164 = vector.broadcast %ne3A_163 : vector<256x1xi1> to vector<256x1xi1>
    %ne3A_165 = arith.xori %lt3A_160, %ne3A_164 : vector<256x1xi1>
    %and3A = arith.andi %ne3A_165, %ne3A_157 : vector<256x1xi1>
    %add3A_166 = vector.broadcast %jit3A_154 : f32 to vector<256x1xf32>
    %add3A_167 = arith.addf %rem3A_155, %add3A_166 : vector<256x1xf32>
    %select_n3A_168 = arith.select %and3A, %add3A_167, %rem3A_155 : vector<256x1xi1>, vector<256x1xf32>
    %add3A_169 = arith.constant 1.024000e+04 : f32
    %add3A_170 = vector.broadcast %add3A_169 : f32 to vector<256x1xf32>
    %add3A_171 = arith.addf %add3A_170, %select_n3A_168 : vector<256x1xf32>
    %gt3A_172 = arith.constant 0.000000e+00 : f32
    %gt3A_173 = vector.broadcast %gt3A_172 : f32 to vector<256x1xf32>
    %gt3A_174 = arith.cmpf ogt, %convert_element_type3A_125, %gt3A_173 : vector<256x1xf32>
    %select_n3A_175 = arith.select %gt3A_174, %add3A_147, %add3A_171 : vector<256x1xi1>, vector<256x1xf32>
    %convert_element_type3A_176 = arith.fptosi %select_n3A_175 : vector<256x1xf32> to vector<256x1xi32>
    %swap3A_177 = arith.constant 0 : index
    %swap3A_178 = arith.constant 0 : index
    %swap3A_179 = vector.load %arg4[%swap3A_177, %swap3A_178] : memref<256x1xi32, #tpu.memory_space<vmem>>, vector<256x1xi32>
    tpu.vector_store %arg4[%swap3A_177, %swap3A_178], %convert_element_type3A_176 {strides = array<i32>} : memref<256x1xi32, #tpu.memory_space<vmem>>, vector<256x1xi32>,
    %gt3A_180 = arith.constant 0.000000e+00 : f32
    %gt3A_181 = vector.broadcast %gt3A_180 : f32 to vector<256x1xf32>
    %gt3A_182 = arith.cmpf ogt, %convert_element_type3A_130, %gt3A_181 : vector<256x1xf32>
    %select_n3A_183 = arith.select %gt3A_182, %add3A_151, %add3A_171 : vector<256x1xi1>, vector<256x1xf32>
    %convert_element_type3A_184 = arith.fptosi %select_n3A_183 : vector<256x1xf32> to vector<256x1xi32>
    %swap3A_185 = arith.constant 0 : index
    %swap3A_186 = arith.constant 0 : index
    %swap3A_187 = vector.load %arg5[%swap3A_185, %swap3A_186] : memref<256x1xi32, #tpu.memory_space<vmem>>, vector<256x1xi32>
    tpu.vector_store %arg5[%swap3A_185, %swap3A_186], %convert_element_type3A_184 {strides = array<i32>} : memref<256x1xi32, #tpu.memory_space<vmem>>, vector<256x1xi32>,
    %convert_element_type3A_188 = arith.fptosi %add3A_147 : vector<256x1xf32> to vector<256x1xi32>
    %swap3A_189 = arith.constant 0 : index
    %swap3A_190 = arith.constant 0 : index
    %swap3A_191 = vector.load %arg6[%swap3A_189, %swap3A_190] : memref<256x1xi32, #tpu.memory_space<vmem>>, vector<256x1xi32>
    tpu.vector_store %arg6[%swap3A_189, %swap3A_190], %convert_element_type3A_188 {strides = array<i32>} : memref<256x1xi32, #tpu.memory_space<vmem>>, vector<256x1xi32>,
    %convert_element_type3A_192 = arith.fptosi %add3A_151 : vector<256x1xf32> to vector<256x1xi32>
    %swap3A_193 = arith.constant 0 : index
    %swap3A_194 = arith.constant 0 : index
    %swap3A_195 = vector.load %arg7[%swap3A_193, %swap3A_194] : memref<256x1xi32, #tpu.memory_space<vmem>>, vector<256x1xi32>
    tpu.vector_store %arg7[%swap3A_193, %swap3A_194], %convert_element_type3A_192 {strides = array<i32>} : memref<256x1xi32, #tpu.memory_space<vmem>>, vector<256x1xi32>,
    %mul3A_196 = arith.mulf %div3A_42, %convert_element_type3A_125 : vector<256x1xf32>
    %mul3A_197 = arith.mulf %sub3A_45, %convert_element_type3A_130 : vector<256x1xf32>
    %add3A_198 = arith.addf %mul3A_196, %mul3A_197 : vector<256x1xf32>
    %max3A = arith.constant 9.99999996E-13 : f32
    %max3A_199 = vector.broadcast %max3A : f32 to vector<256x1xf32>
    %max3A_200 = arith.maximumf %add3A_198, %max3A_199 : vector<256x1xf32>
    %div3A_201 = arith.divf %mul3A_196, %max3A_200 : vector<256x1xf32>
    %swap3A_202 = arith.constant 0 : index
    %swap3A_203 = arith.constant 0 : index
    %swap3A_204 = vector.load %arg8[%swap3A_202, %swap3A_203] : memref<256x1xf32, #tpu.memory_space<vmem>>, vector<256x1xf32>
    tpu.vector_store %arg8[%swap3A_202, %swap3A_203], %div3A_201 {strides = array<i32>} : memref<256x1xf32, #tpu.memory_space<vmem>>, vector<256x1xf32>,
    %div3A_205 = arith.divf %mul3A_197, %max3A_200 : vector<256x1xf32>
    %swap3A_206 = arith.constant 0 : index
    %swap3A_207 = arith.constant 0 : index
    %swap3A_208 = vector.load %arg9[%swap3A_206, %swap3A_207] : memref<256x1xf32, #tpu.memory_space<vmem>>, vector<256x1xf32>
    tpu.vector_store %arg9[%swap3A_206, %swap3A_207], %div3A_205 {strides = array<i32>} : memref<256x1xf32, #tpu.memory_space<vmem>>, vector<256x1xf32>,
    %concatenate3A = tpu.concatenate %broadcast_in_dim3A_139, %broadcast_in_dim3A_143 in 1 : vector<256x1xf32>, vector<256x1xf32> -> vector<256x2xf32>
    %convert_element_type3A_209 = arith.fptosi %concatenate3A : vector<256x2xf32> to vector<256x2xi32>
    %swap3A_210 = arith.constant 0 : index
    %swap3A_211 = arith.constant 0 : index
    %swap3A_212 = vector.load %arg3[%swap3A_210, %swap3A_211] : memref<256x2xi32, #tpu.memory_space<vmem>>, vector<256x2xi32>
    tpu.vector_store %arg3[%swap3A_210, %swap3A_211], %convert_element_type3A_209 {strides = array<i32>} : memref<256x2xi32, #tpu.memory_space<vmem>>, vector<256x2xi32>,
    %get3A_213 = arith.constant 0 : index
    %get3A_214 = arith.constant 0 : index
    %get3A_215 = vector.load %arg12[%get3A_213, %get3A_214] : memref<1x8xf32, #tpu.memory_space<vmem>>, vector<1x8xf32>
    %div3A_216 = arith.constant 4.096000e+03 : f32
    %div3A_217 = vector.broadcast %div3A_216 : f32 to vector<1x8xf32>
    %div3A_218 = arith.divf %get3A_215, %div3A_217 : vector<1x8xf32>
    %get3A_219 = arith.constant 0 : index
    %get3A_220 = arith.constant 0 : index
    %get3A_221 = vector.load %arg13[%get3A_219, %get3A_220] : memref<1x8xf32, #tpu.memory_space<vmem>>, vector<1x8xf32>
    %div3A_222 = arith.constant 4.096000e+03 : f32
    %div3A_223 = vector.broadcast %div3A_222 : f32 to vector<1x8xf32>
    %div3A_224 = arith.divf %get3A_221, %div3A_223 : vector<1x8xf32>
    %mul3A_225 = arith.mulf %div3A_218, %div3A_224 : vector<1x8xf32>
    %reduce_sum3A_226 = vector.shape_cast %mul3A_225 : vector<1x8xf32> to vector<1x1x8xf32>
    %reduce_sum3A_227 = arith.constant dense<0.000000e+00> : vector<1xf32>
    %reduce_sum3A_228 = vector.multi_reduction <add>, %reduce_sum3A_226, %reduce_sum3A_227 [1, 2] : vector<1x1x8xf32> to vector<1xf32>
    %reduce_sum3A_229 = vector.shape_cast %reduce_sum3A_228 : vector<1xf32> to vector<1x1x1xf32>
    %reduce_sum3A_230 = vector.extract %reduce_sum3A_229[0, 0, 0] : f32 from vector<1x1x1xf32>
    %broadcast_in_dim3A_231 = vector.broadcast %reduce_sum3A_230 : f32 to vector<1x1xf32>
    %mul3A_232 = arith.constant 8.000000e+00 : f32
    %mul3A_233 = vector.broadcast %mul3A_232 : f32 to vector<1x1xf32>
    %mul3A_234 = arith.mulf %broadcast_in_dim3A_231, %mul3A_233 : vector<1x1xf32>
    %get3A_235 = arith.constant 0 : index
    %get3A_236 = arith.constant 0 : index
    %get3A_237 = vector.load %arg14[%get3A_235, %get3A_236] : memref<1x1xf32, #tpu.memory_space<vmem>>, vector<1x1xf32>
    %div3A_238 = arith.constant 4.096000e+03 : f32
    %div3A_239 = vector.broadcast %div3A_238 : f32 to vector<1x1xf32>
    %div3A_240 = arith.divf %get3A_237, %div3A_239 : vector<1x1xf32>
    %mul3A_241 = arith.constant 0.00999999977 : f32
    %mul3A_242 = vector.broadcast %mul3A_241 : f32 to vector<1x1xf32>
    %mul3A_243 = arith.mulf %mul3A_242, %mul3A_234 : vector<1x1xf32>
    %mul3A_244 = arith.constant 1.000000e-03 : f32
    %mul3A_245 = vector.broadcast %mul3A_244 : f32 to vector<1x1xf32>
    %mul3A_246 = arith.mulf %mul3A_245, %div3A_240 : vector<1x1xf32>
    %add3A_247 = arith.addf %mul3A_243, %mul3A_246 : vector<1x1xf32>
    %swap3A_248 = arith.constant 0 : index
    %swap3A_249 = arith.constant 0 : index
    %swap3A_250 = vector.load %arg10[%swap3A_248, %swap3A_249] : memref<1x1xf32, #tpu.memory_space<vmem>>, vector<1x1xf32>
    tpu.vector_store %arg10[%swap3A_248, %swap3A_249], %add3A_247 {strides = array<i32>} : memref<1x1xf32, #tpu.memory_space<vmem>>, vector<1x1xf32>,
    return
  }
  func.func @transform_0(%arg0: i32) -> (i32, i32) {
    %c0_i32 = arith.constant 0 : i32
    %c0_i32_0 = arith.constant 0 : i32
    return %arg0, %c0_i32 : i32, i32
  }
  func.func @transform_1(%arg0: i32) -> (i32, i32) {
    %c0_i32 = arith.constant 0 : i32
    %c0_i32_0 = arith.constant 0 : i32
    %c0_i32_1 = arith.constant 0 : i32
    return %c0_i32, %c0_i32_0 : i32, i32
  }
  func.func @transform_2(%arg0: i32) -> (i32, i32) {
    %c0_i32 = arith.constant 0 : i32
    %c0_i32_0 = arith.constant 0 : i32
    return %arg0, %c0_i32 : i32, i32
  }
  func.func @transform_3(%arg0: i32) -> (i32, i32) {
    %c0_i32 = arith.constant 0 : i32
    %c0_i32_0 = arith.constant 0 : i32
    return %arg0, %c0_i32 : i32, i32
  }
  func.func @transform_4(%arg0: i32) -> (i32, i32) {
    %c0_i32 = arith.constant 0 : i32
    %c0_i32_0 = arith.constant 0 : i32
    return %arg0, %c0_i32 : i32, i32
  }
  func.func @transform_5(%arg0: i32) -> (i32, i32) {
    %c0_i32 = arith.constant 0 : i32
    %c0_i32_0 = arith.constant 0 : i32
    return %arg0, %c0_i32 : i32, i32
  }
  func.func @transform_6(%arg0: i32) -> (i32, i32) {
    %c0_i32 = arith.constant 0 : i32
    %c0_i32_0 = arith.constant 0 : i32
    return %arg0, %c0_i32 : i32, i32
  }
  func.func @transform_7(%arg0: i32) -> (i32, i32) {
    %c0_i32 = arith.constant 0 : i32
    %c0_i32_0 = arith.constant 0 : i32
    return %arg0, %c0_i32 : i32, i32
  }
  func.func @transform_8(%arg0: i32) -> (i32, i32) {
    %c0_i32 = arith.constant 0 : i32
    %c0_i32_0 = arith.constant 0 : i32
    return %arg0, %c0_i32 : i32, i32
  }
  func.func @transform_9(%arg0: i32) -> (i32, i32) {
    %c0_i32 = arith.constant 0 : i32
    %c0_i32_0 = arith.constant 0 : i32
    %c0_i32_1 = arith.constant 0 : i32
    return %c0_i32, %c0_i32_0 : i32, i32
  }
}

module attributes {stable_mosaic.version = 14 : i64} {
  func.func @_ffn_body(%arg0: i32, %arg1: i32, %arg2: memref<1280x768xf32, #tpu.memory_space<vmem>>, %arg3: memref<1x768x512xf32, #tpu.memory_space<vmem>>, %arg4: memref<1x768x512xf32, #tpu.memory_space<vmem>>, %arg5: memref<1x512x768xf32, #tpu.memory_space<vmem>>, %arg6: memref<1280x768xf32, #tpu.memory_space<vmem>>) attributes {dimension_semantics = [#tpu.dimension_semantics<arbitrary>, #tpu.dimension_semantics<arbitrary>], iteration_bounds = array<i64: 8, 4>, scalar_prefetch = 0 : i64, scratch_operands = 0 : i64, tpu.core_type = #tpu.core_type<tc>, window_params = [{transform_indices = @transform_0, window_bounds = array<i64: 1280, 768>}, {transform_indices = @transform_1, window_bounds = array<i64: 1, 768, 512>}, {transform_indices = @transform_2, window_bounds = array<i64: 1, 768, 512>}, {transform_indices = @transform_3, window_bounds = array<i64: 1, 512, 768>}, {transform_indices = @transform_4, window_bounds = array<i64: 1280, 768>}]} {
    %get3A = arith.constant 0 : index
    %get3A_0 = arith.constant 0 : index
    %get3A_1 = vector.load %arg2[%get3A, %get3A_0] : memref<1280x768xf32, #tpu.memory_space<vmem>>, vector<1280x768xf32>
    %convert_element_type3A = arith.truncf %get3A_1 : vector<1280x768xf32> to vector<1280x768xbf16>
    %get3A_2 = arith.constant 0 : index
    %get3A_3 = arith.constant 0 : index
    %get3A_4 = arith.constant 0 : index
    %get3A_5 = vector.load %arg3[%get3A_2, %get3A_3, %get3A_4] : memref<1x768x512xf32, #tpu.memory_space<vmem>>, vector<1x768x512xf32>
    %get3A_6 = vector.shape_cast %get3A_5 : vector<1x768x512xf32> to vector<768x512xf32>
    %convert_element_type3A_7 = arith.truncf %get3A_6 : vector<768x512xf32> to vector<768x512xbf16>
    %dot_general3A = arith.constant dense<0.000000e+00> : vector<1280x512xf32>
    %dot_general3A_8 = tpu.matmul %convert_element_type3A, %convert_element_type3A_7, %dot_general3A {dimension_numbers = #tpu.dot_dimension_numbers<[1], [0], [0], [1], [0, 0, 1, 1], [], []>, transpose_lhs_hint = false} : vector<1280x768xbf16>, vector<768x512xbf16>, vector<1280x512xf32> -> vector<1280x512xf32>
    %get3A_9 = arith.constant 0 : index
    %get3A_10 = arith.constant 0 : index
    %get3A_11 = arith.constant 0 : index
    %get3A_12 = vector.load %arg4[%get3A_9, %get3A_10, %get3A_11] : memref<1x768x512xf32, #tpu.memory_space<vmem>>, vector<1x768x512xf32>
    %get3A_13 = vector.shape_cast %get3A_12 : vector<1x768x512xf32> to vector<768x512xf32>
    %convert_element_type3A_14 = arith.truncf %get3A_13 : vector<768x512xf32> to vector<768x512xbf16>
    %dot_general3A_15 = arith.constant dense<0.000000e+00> : vector<1280x512xf32>
    %dot_general3A_16 = tpu.matmul %convert_element_type3A, %convert_element_type3A_14, %dot_general3A_15 {dimension_numbers = #tpu.dot_dimension_numbers<[1], [0], [0], [1], [0, 0, 1, 1], [], []>, transpose_lhs_hint = false} : vector<1280x768xbf16>, vector<768x512xbf16>, vector<1280x512xf32> -> vector<1280x512xf32>
    %neg3A = arith.constant 0.000000e+00 : f32
    %neg3A_17 = vector.broadcast %neg3A : f32 to vector<1280x512xf32>
    %neg3A_18 = arith.subf %neg3A_17, %dot_general3A_8 : vector<1280x512xf32>
    %exp3A = math.exp %neg3A_18 : vector<1280x512xf32>
    %add3A = arith.constant 1.000000e+00 : f32
    %add3A_19 = vector.broadcast %add3A : f32 to vector<1280x512xf32>
    %add3A_20 = arith.addf %add3A_19, %exp3A : vector<1280x512xf32>
    %div3A = arith.constant 1.000000e+00 : f32
    %div3A_21 = vector.broadcast %div3A : f32 to vector<1280x512xf32>
    %div3A_22 = arith.divf %div3A_21, %add3A_20 : vector<1280x512xf32>
    %mul3A = arith.mulf %dot_general3A_8, %div3A_22 : vector<1280x512xf32>
    %mul3A_23 = arith.mulf %mul3A, %dot_general3A_16 : vector<1280x512xf32>
    %convert_element_type3A_24 = arith.truncf %mul3A_23 : vector<1280x512xf32> to vector<1280x512xbf16>
    %get3A_25 = arith.constant 0 : index
    %get3A_26 = arith.constant 0 : index
    %get3A_27 = arith.constant 0 : index
    %get3A_28 = vector.load %arg5[%get3A_25, %get3A_26, %get3A_27] : memref<1x512x768xf32, #tpu.memory_space<vmem>>, vector<1x512x768xf32>
    %get3A_29 = vector.shape_cast %get3A_28 : vector<1x512x768xf32> to vector<512x768xf32>
    %convert_element_type3A_30 = arith.truncf %get3A_29 : vector<512x768xf32> to vector<512x768xbf16>
    %dot_general3A_31 = arith.constant dense<0.000000e+00> : vector<1280x768xf32>
    %dot_general3A_32 = tpu.matmul %convert_element_type3A_24, %convert_element_type3A_30, %dot_general3A_31 {dimension_numbers = #tpu.dot_dimension_numbers<[1], [0], [0], [1], [0, 0, 1, 1], [], []>, transpose_lhs_hint = false} : vector<1280x512xbf16>, vector<512x768xbf16>, vector<1280x768xf32> -> vector<1280x768xf32>
    %eq3A = arith.constant 0 : i32
    %eq3A_33 = arith.cmpi eq, %arg1, %eq3A : i32
    %convert_element_type3A_34 = arith.extui %eq3A_33 : i1 to i32
    %cond3A = arith.constant 0 : i32
    %cond3A_35 = arith.cmpi ne, %convert_element_type3A_34, %cond3A : i32
    scf.if %cond3A_35 {
      %swap3A = arith.constant 0 : index
      %swap3A_40 = arith.constant 0 : index
      %swap3A_41 = vector.load %arg6[%swap3A, %swap3A_40] : memref<1280x768xf32, #tpu.memory_space<vmem>>, vector<1280x768xf32>
      tpu.vector_store %arg6[%swap3A, %swap3A_40], %dot_general3A_32 {strides = array<i32>} : memref<1280x768xf32, #tpu.memory_space<vmem>>, vector<1280x768xf32>,
    } else {
    }
    %gt3A = arith.constant 0 : i32
    %gt3A_36 = arith.cmpi sgt, %arg1, %gt3A : i32
    %convert_element_type3A_37 = arith.extui %gt3A_36 : i1 to i32
    %cond3A_38 = arith.constant 0 : i32
    %cond3A_39 = arith.cmpi ne, %convert_element_type3A_37, %cond3A_38 : i32
    scf.if %cond3A_39 {
      %get3A_40 = arith.constant 0 : index
      %get3A_41 = arith.constant 0 : index
      %get3A_42 = vector.load %arg6[%get3A_40, %get3A_41] : memref<1280x768xf32, #tpu.memory_space<vmem>>, vector<1280x768xf32>
      %add3A_43 = arith.addf %get3A_42, %dot_general3A_32 : vector<1280x768xf32>
      %swap3A = arith.constant 0 : index
      %swap3A_44 = arith.constant 0 : index
      %swap3A_45 = vector.load %arg6[%swap3A, %swap3A_44] : memref<1280x768xf32, #tpu.memory_space<vmem>>, vector<1280x768xf32>
      tpu.vector_store %arg6[%swap3A, %swap3A_44], %add3A_43 {strides = array<i32>} : memref<1280x768xf32, #tpu.memory_space<vmem>>, vector<1280x768xf32>,
    } else {
    }
    return
  }
  func.func @transform_0(%arg0: i32, %arg1: i32) -> (i32, i32) {
    %c0_i32 = arith.constant 0 : i32
    %c0_i32_0 = arith.constant 0 : i32
    return %arg0, %c0_i32 : i32, i32
  }
  func.func @transform_1(%arg0: i32, %arg1: i32) -> (i32, i32, i32) {
    %c0_i32 = arith.constant 0 : i32
    %c0_i32_0 = arith.constant 0 : i32
    return %arg0, %c0_i32, %arg1 : i32, i32, i32
  }
  func.func @transform_2(%arg0: i32, %arg1: i32) -> (i32, i32, i32) {
    %add3A = arith.constant 4 : i32
    %add3A_0 = arith.addi %add3A, %arg1 : i32
    %c0_i32 = arith.constant 0 : i32
    %c0_i32_1 = arith.constant 0 : i32
    return %arg0, %c0_i32, %add3A_0 : i32, i32, i32
  }
  func.func @transform_3(%arg0: i32, %arg1: i32) -> (i32, i32, i32) {
    %c0_i32 = arith.constant 0 : i32
    %c0_i32_0 = arith.constant 0 : i32
    return %arg0, %arg1, %c0_i32 : i32, i32, i32
  }
  func.func @transform_4(%arg0: i32, %arg1: i32) -> (i32, i32) {
    %c0_i32 = arith.constant 0 : i32
    %c0_i32_0 = arith.constant 0 : i32
    return %arg0, %c0_i32 : i32, i32
  }
}

module attributes {stable_mosaic.version = 14 : i64} {
  func.func @_collab_body(%arg0: i32, %arg1: memref<256x768xf32, #tpu.memory_space<vmem>>, %arg2: memref<256x768xf32, #tpu.memory_space<vmem>>, %arg3: memref<256x1xf32, #tpu.memory_space<vmem>>, %arg4: memref<256x1xf32, #tpu.memory_space<vmem>>, %arg5: memref<768x768xf32, #tpu.memory_space<vmem>>, %arg6: memref<768x768xf32, #tpu.memory_space<vmem>>, %arg7: memref<768x768xf32, #tpu.memory_space<vmem>>, %arg8: memref<1536x1536xf32, #tpu.memory_space<vmem>>, %arg9: memref<768x1536xf32, #tpu.memory_space<vmem>>, %arg10: memref<256x768xf32, #tpu.memory_space<vmem>>) attributes {dimension_semantics = [#tpu.dimension_semantics<arbitrary>], iteration_bounds = array<i64: 16>, scalar_prefetch = 0 : i64, scratch_operands = 0 : i64, tpu.core_type = #tpu.core_type<tc>, window_params = [{transform_indices = @transform_0, window_bounds = array<i64: 256, 768>}, {transform_indices = @transform_1, window_bounds = array<i64: 256, 768>}, {transform_indices = @transform_2, window_bounds = array<i64: 256, 1>}, {transform_indices = @transform_3, window_bounds = array<i64: 256, 1>}, {pipeline_mode = #tpu.pipeline_mode<synchronous>, transform_indices = @transform_4, window_bounds = array<i64: 768, 768>}, {pipeline_mode = #tpu.pipeline_mode<synchronous>, transform_indices = @transform_5, window_bounds = array<i64: 768, 768>}, {pipeline_mode = #tpu.pipeline_mode<synchronous>, transform_indices = @transform_6, window_bounds = array<i64: 768, 768>}, {pipeline_mode = #tpu.pipeline_mode<synchronous>, transform_indices = @transform_7, window_bounds = array<i64: 1536, 1536>}, {pipeline_mode = #tpu.pipeline_mode<synchronous>, transform_indices = @transform_8, window_bounds = array<i64: 768, 1536>}, {transform_indices = @transform_9, window_bounds = array<i64: 256, 768>}]} {
    %get3A = arith.constant 0 : index
    %get3A_0 = arith.constant 0 : index
    %get3A_1 = vector.load %arg3[%get3A, %get3A_0] : memref<256x1xf32, #tpu.memory_space<vmem>>, vector<256x1xf32>
    %get3A_2 = arith.constant 0 : index
    %get3A_3 = arith.constant 0 : index
    %get3A_4 = vector.load %arg4[%get3A_2, %get3A_3] : memref<256x1xf32, #tpu.memory_space<vmem>>, vector<256x1xf32>
    %gt3A = arith.constant 0.000000e+00 : f32
    %gt3A_5 = vector.broadcast %gt3A : f32 to vector<256x1xf32>
    %gt3A_6 = arith.cmpf ogt, %get3A_1, %gt3A_5 : vector<256x1xf32>
    %convert_element_type3A = arith.extui %gt3A_6 : vector<256x1xi1> to vector<256x1xi32>
    %convert_element_type3A_7 = arith.sitofp %convert_element_type3A : vector<256x1xi32> to vector<256x1xf32>
    %gt3A_8 = arith.constant 0.000000e+00 : f32
    %gt3A_9 = vector.broadcast %gt3A_8 : f32 to vector<256x1xf32>
    %gt3A_10 = arith.cmpf ogt, %get3A_4, %gt3A_9 : vector<256x1xf32>
    %convert_element_type3A_11 = arith.extui %gt3A_10 : vector<256x1xi1> to vector<256x1xi32>
    %convert_element_type3A_12 = arith.sitofp %convert_element_type3A_11 : vector<256x1xi32> to vector<256x1xf32>
    %gt3A_13 = arith.constant 0.000000e+00 : f32
    %gt3A_14 = vector.broadcast %gt3A_13 : f32 to vector<256x1xf32>
    %gt3A_15 = arith.cmpf ogt, %get3A_1, %gt3A_14 : vector<256x1xf32>
    %get3A_16 = arith.constant 0 : index
    %get3A_17 = arith.constant 0 : index
    %get3A_18 = vector.load %arg1[%get3A_16, %get3A_17] : memref<256x768xf32, #tpu.memory_space<vmem>>, vector<256x768xf32>
    %jit3A = arith.constant 0.000000e+00 : f32
    %broadcast_in_dim3A = vector.shape_cast %gt3A_15 : vector<256x1xi1> to vector<256x1xi1>
    %broadcast_in_dim3A_19 = vector.broadcast %broadcast_in_dim3A : vector<256x1xi1> to vector<256x768xi1>
    %broadcast_in_dim3A_20 = vector.broadcast %jit3A : f32 to vector<256x768xf32>
    %select_n3A = arith.select %broadcast_in_dim3A_19, %get3A_18, %broadcast_in_dim3A_20 : vector<256x768xi1>, vector<256x768xf32>
    %gt3A_21 = arith.constant 0.000000e+00 : f32
    %gt3A_22 = vector.broadcast %gt3A_21 : f32 to vector<256x1xf32>
    %gt3A_23 = arith.cmpf ogt, %get3A_4, %gt3A_22 : vector<256x1xf32>
    %get3A_24 = arith.constant 0 : index
    %get3A_25 = arith.constant 0 : index
    %get3A_26 = vector.load %arg2[%get3A_24, %get3A_25] : memref<256x768xf32, #tpu.memory_space<vmem>>, vector<256x768xf32>
    %jit3A_27 = arith.constant 0.000000e+00 : f32
    %broadcast_in_dim3A_28 = vector.shape_cast %gt3A_23 : vector<256x1xi1> to vector<256x1xi1>
    %broadcast_in_dim3A_29 = vector.broadcast %broadcast_in_dim3A_28 : vector<256x1xi1> to vector<256x768xi1>
    %broadcast_in_dim3A_30 = vector.broadcast %jit3A_27 : f32 to vector<256x768xf32>
    %select_n3A_31 = arith.select %broadcast_in_dim3A_29, %get3A_26, %broadcast_in_dim3A_30 : vector<256x768xi1>, vector<256x768xf32>
    %get3A_32 = arith.constant 0 : index
    %get3A_33 = arith.constant 0 : index
    %get3A_34 = vector.load %arg5[%get3A_32, %get3A_33] : memref<768x768xf32, #tpu.memory_space<vmem>>, vector<768x768xf32>
    %convert_element_type3A_35 = arith.truncf %get3A_34 : vector<768x768xf32> to vector<768x768xbf16>
    %get3A_36 = arith.constant 0 : index
    %get3A_37 = arith.constant 0 : index
    %get3A_38 = vector.load %arg6[%get3A_36, %get3A_37] : memref<768x768xf32, #tpu.memory_space<vmem>>, vector<768x768xf32>
    %convert_element_type3A_39 = arith.truncf %get3A_38 : vector<768x768xf32> to vector<768x768xbf16>
    %get3A_40 = arith.constant 0 : index
    %get3A_41 = arith.constant 0 : index
    %get3A_42 = vector.load %arg7[%get3A_40, %get3A_41] : memref<768x768xf32, #tpu.memory_space<vmem>>, vector<768x768xf32>
    %convert_element_type3A_43 = arith.truncf %get3A_42 : vector<768x768xf32> to vector<768x768xbf16>
    %convert_element_type3A_44 = arith.truncf %select_n3A : vector<256x768xf32> to vector<256x768xbf16>
    %convert_element_type3A_45 = arith.truncf %select_n3A_31 : vector<256x768xf32> to vector<256x768xbf16>
    %dot_general3A = arith.constant dense<0.000000e+00> : vector<256x768xf32>
    %dot_general3A_46 = tpu.matmul %convert_element_type3A_44, %convert_element_type3A_35, %dot_general3A {dimension_numbers = #tpu.dot_dimension_numbers<[1], [1], [0], [0], [0, 0, 1, 0], [], []>, transpose_lhs_hint = false} : vector<256x768xbf16>, vector<768x768xbf16>, vector<256x768xf32> -> vector<256x768xf32>
    %dot_general3A_47 = arith.constant dense<0.000000e+00> : vector<256x768xf32>
    %dot_general3A_48 = tpu.matmul %convert_element_type3A_45, %convert_element_type3A_35, %dot_general3A_47 {dimension_numbers = #tpu.dot_dimension_numbers<[1], [1], [0], [0], [0, 0, 1, 0], [], []>, transpose_lhs_hint = false} : vector<256x768xbf16>, vector<768x768xbf16>, vector<256x768xf32> -> vector<256x768xf32>
    %dot_general3A_49 = arith.constant dense<0.000000e+00> : vector<256x768xf32>
    %dot_general3A_50 = tpu.matmul %convert_element_type3A_44, %convert_element_type3A_39, %dot_general3A_49 {dimension_numbers = #tpu.dot_dimension_numbers<[1], [1], [0], [0], [0, 0, 1, 0], [], []>, transpose_lhs_hint = false} : vector<256x768xbf16>, vector<768x768xbf16>, vector<256x768xf32> -> vector<256x768xf32>
    %dot_general3A_51 = arith.constant dense<0.000000e+00> : vector<256x768xf32>
    %dot_general3A_52 = tpu.matmul %convert_element_type3A_45, %convert_element_type3A_39, %dot_general3A_51 {dimension_numbers = #tpu.dot_dimension_numbers<[1], [1], [0], [0], [0, 0, 1, 0], [], []>, transpose_lhs_hint = false} : vector<256x768xbf16>, vector<768x768xbf16>, vector<256x768xf32> -> vector<256x768xf32>
    %convert_element_type3A_53 = arith.truncf %dot_general3A_46 : vector<256x768xf32> to vector<256x768xbf16>
    %dot_general3A_54 = arith.constant dense<0.000000e+00> : vector<256x768xf32>
    %dot_general3A_55 = tpu.matmul %convert_element_type3A_53, %convert_element_type3A_43, %dot_general3A_54 {dimension_numbers = #tpu.dot_dimension_numbers<[1], [1], [0], [0], [0, 0, 1, 0], [], []>, transpose_lhs_hint = false} : vector<256x768xbf16>, vector<768x768xbf16>, vector<256x768xf32> -> vector<256x768xf32>
    %convert_element_type3A_56 = arith.truncf %dot_general3A_48 : vector<256x768xf32> to vector<256x768xbf16>
    %dot_general3A_57 = arith.constant dense<0.000000e+00> : vector<256x768xf32>
    %dot_general3A_58 = tpu.matmul %convert_element_type3A_56, %convert_element_type3A_43, %dot_general3A_57 {dimension_numbers = #tpu.dot_dimension_numbers<[1], [1], [0], [0], [0, 0, 1, 0], [], []>, transpose_lhs_hint = false} : vector<256x768xbf16>, vector<768x768xbf16>, vector<256x768xf32> -> vector<256x768xf32>
    %mul3A = arith.mulf %dot_general3A_50, %dot_general3A_55 : vector<256x768xf32>
    %reduce_sum3A = arith.constant dense<0.000000e+00> : vector<256xf32>
    %reduce_sum3A_59 = vector.multi_reduction <add>, %mul3A, %reduce_sum3A [1] : vector<256x768xf32> to vector<256xf32>
    %broadcast_in_dim3A_60 = vector.shape_cast %reduce_sum3A_59 : vector<256xf32> to vector<256x1xf32>
    %mul3A_61 = arith.constant 0.0360843912 : f32
    %mul3A_62 = vector.broadcast %mul3A_61 : f32 to vector<256x1xf32>
    %mul3A_63 = arith.mulf %broadcast_in_dim3A_60, %mul3A_62 : vector<256x1xf32>
    %mul3A_64 = arith.mulf %dot_general3A_50, %dot_general3A_58 : vector<256x768xf32>
    %reduce_sum3A_65 = arith.constant dense<0.000000e+00> : vector<256xf32>
    %reduce_sum3A_66 = vector.multi_reduction <add>, %mul3A_64, %reduce_sum3A_65 [1] : vector<256x768xf32> to vector<256xf32>
    %broadcast_in_dim3A_67 = vector.shape_cast %reduce_sum3A_66 : vector<256xf32> to vector<256x1xf32>
    %mul3A_68 = arith.constant 0.0360843912 : f32
    %mul3A_69 = vector.broadcast %mul3A_68 : f32 to vector<256x1xf32>
    %mul3A_70 = arith.mulf %broadcast_in_dim3A_67, %mul3A_69 : vector<256x1xf32>
    %mul3A_71 = arith.mulf %dot_general3A_52, %dot_general3A_55 : vector<256x768xf32>
    %reduce_sum3A_72 = arith.constant dense<0.000000e+00> : vector<256xf32>
    %reduce_sum3A_73 = vector.multi_reduction <add>, %mul3A_71, %reduce_sum3A_72 [1] : vector<256x768xf32> to vector<256xf32>
    %broadcast_in_dim3A_74 = vector.shape_cast %reduce_sum3A_73 : vector<256xf32> to vector<256x1xf32>
    %mul3A_75 = arith.constant 0.0360843912 : f32
    %mul3A_76 = vector.broadcast %mul3A_75 : f32 to vector<256x1xf32>
    %mul3A_77 = arith.mulf %broadcast_in_dim3A_74, %mul3A_76 : vector<256x1xf32>
    %mul3A_78 = arith.mulf %dot_general3A_52, %dot_general3A_58 : vector<256x768xf32>
    %reduce_sum3A_79 = arith.constant dense<0.000000e+00> : vector<256xf32>
    %reduce_sum3A_80 = vector.multi_reduction <add>, %mul3A_78, %reduce_sum3A_79 [1] : vector<256x768xf32> to vector<256xf32>
    %broadcast_in_dim3A_81 = vector.shape_cast %reduce_sum3A_80 : vector<256xf32> to vector<256x1xf32>
    %mul3A_82 = arith.constant 0.0360843912 : f32
    %mul3A_83 = vector.broadcast %mul3A_82 : f32 to vector<256x1xf32>
    %mul3A_84 = arith.mulf %broadcast_in_dim3A_81, %mul3A_83 : vector<256x1xf32>
    %mul3A_85 = arith.mulf %convert_element_type3A_7, %convert_element_type3A_7 : vector<256x1xf32>
    %mul3A_86 = arith.mulf %convert_element_type3A_7, %convert_element_type3A_12 : vector<256x1xf32>
    %mul3A_87 = arith.mulf %convert_element_type3A_12, %convert_element_type3A_7 : vector<256x1xf32>
    %mul3A_88 = arith.mulf %convert_element_type3A_12, %convert_element_type3A_12 : vector<256x1xf32>
    %gt3A_89 = arith.constant 0.000000e+00 : f32
    %gt3A_90 = vector.broadcast %gt3A_89 : f32 to vector<256x1xf32>
    %gt3A_91 = arith.cmpf ogt, %mul3A_85, %gt3A_90 : vector<256x1xf32>
    %jit3A_92 = arith.constant -1.000000e+09 : f32
    %broadcast_in_dim3A_93 = vector.broadcast %jit3A_92 : f32 to vector<256x1xf32>
    %select_n3A_94 = arith.select %gt3A_91, %mul3A_63, %broadcast_in_dim3A_93 : vector<256x1xi1>, vector<256x1xf32>
    %gt3A_95 = arith.constant 0.000000e+00 : f32
    %gt3A_96 = vector.broadcast %gt3A_95 : f32 to vector<256x1xf32>
    %gt3A_97 = arith.cmpf ogt, %mul3A_86, %gt3A_96 : vector<256x1xf32>
    %jit3A_98 = arith.constant -1.000000e+09 : f32
    %broadcast_in_dim3A_99 = vector.broadcast %jit3A_98 : f32 to vector<256x1xf32>
    %select_n3A_100 = arith.select %gt3A_97, %mul3A_70, %broadcast_in_dim3A_99 : vector<256x1xi1>, vector<256x1xf32>
    %gt3A_101 = arith.constant 0.000000e+00 : f32
    %gt3A_102 = vector.broadcast %gt3A_101 : f32 to vector<256x1xf32>
    %gt3A_103 = arith.cmpf ogt, %mul3A_87, %gt3A_102 : vector<256x1xf32>
    %jit3A_104 = arith.constant -1.000000e+09 : f32
    %broadcast_in_dim3A_105 = vector.broadcast %jit3A_104 : f32 to vector<256x1xf32>
    %select_n3A_106 = arith.select %gt3A_103, %mul3A_77, %broadcast_in_dim3A_105 : vector<256x1xi1>, vector<256x1xf32>
    %gt3A_107 = arith.constant 0.000000e+00 : f32
    %gt3A_108 = vector.broadcast %gt3A_107 : f32 to vector<256x1xf32>
    %gt3A_109 = arith.cmpf ogt, %mul3A_88, %gt3A_108 : vector<256x1xf32>
    %jit3A_110 = arith.constant -1.000000e+09 : f32
    %broadcast_in_dim3A_111 = vector.broadcast %jit3A_110 : f32 to vector<256x1xf32>
    %select_n3A_112 = arith.select %gt3A_109, %mul3A_84, %broadcast_in_dim3A_111 : vector<256x1xi1>, vector<256x1xf32>
    %max3A = arith.maximumf %select_n3A_94, %select_n3A_100 : vector<256x1xf32>
    %sub3A = arith.subf %select_n3A_94, %max3A : vector<256x1xf32>
    %exp3A = math.exp %sub3A : vector<256x1xf32>
    %mul3A_113 = arith.mulf %exp3A, %mul3A_85 : vector<256x1xf32>
    %sub3A_114 = arith.subf %select_n3A_100, %max3A : vector<256x1xf32>
    %exp3A_115 = math.exp %sub3A_114 : vector<256x1xf32>
    %mul3A_116 = arith.mulf %exp3A_115, %mul3A_86 : vector<256x1xf32>
    %add3A = arith.addf %mul3A_113, %mul3A_116 : vector<256x1xf32>
    %max3A_117 = arith.constant 9.99999996E-13 : f32
    %max3A_118 = vector.broadcast %max3A_117 : f32 to vector<256x1xf32>
    %max3A_119 = arith.maximumf %add3A, %max3A_118 : vector<256x1xf32>
    %div3A = arith.divf %mul3A_113, %max3A_119 : vector<256x1xf32>
    %div3A_120 = arith.divf %mul3A_116, %max3A_119 : vector<256x1xf32>
    %max3A_121 = arith.maximumf %select_n3A_106, %select_n3A_112 : vector<256x1xf32>
    %sub3A_122 = arith.subf %select_n3A_106, %max3A_121 : vector<256x1xf32>
    %exp3A_123 = math.exp %sub3A_122 : vector<256x1xf32>
    %mul3A_124 = arith.mulf %exp3A_123, %mul3A_87 : vector<256x1xf32>
    %sub3A_125 = arith.subf %select_n3A_112, %max3A_121 : vector<256x1xf32>
    %exp3A_126 = math.exp %sub3A_125 : vector<256x1xf32>
    %mul3A_127 = arith.mulf %exp3A_126, %mul3A_88 : vector<256x1xf32>
    %add3A_128 = arith.addf %mul3A_124, %mul3A_127 : vector<256x1xf32>
    %max3A_129 = arith.constant 9.99999996E-13 : f32
    %max3A_130 = vector.broadcast %max3A_129 : f32 to vector<256x1xf32>
    %max3A_131 = arith.maximumf %add3A_128, %max3A_130 : vector<256x1xf32>
    %div3A_132 = arith.divf %mul3A_124, %max3A_131 : vector<256x1xf32>
    %div3A_133 = arith.divf %mul3A_127, %max3A_131 : vector<256x1xf32>
    %mul3A_134 = vector.broadcast %div3A : vector<256x1xf32> to vector<256x768xf32>
    %mul3A_135 = arith.mulf %mul3A_134, %dot_general3A_46 : vector<256x768xf32>
    %mul3A_136 = vector.broadcast %div3A_120 : vector<256x1xf32> to vector<256x768xf32>
    %mul3A_137 = arith.mulf %mul3A_136, %dot_general3A_48 : vector<256x768xf32>
    %add3A_138 = arith.addf %mul3A_135, %mul3A_137 : vector<256x768xf32>
    %mul3A_139 = vector.broadcast %div3A_132 : vector<256x1xf32> to vector<256x768xf32>
    %mul3A_140 = arith.mulf %mul3A_139, %dot_general3A_46 : vector<256x768xf32>
    %mul3A_141 = vector.broadcast %div3A_133 : vector<256x1xf32> to vector<256x768xf32>
    %mul3A_142 = arith.mulf %mul3A_141, %dot_general3A_48 : vector<256x768xf32>
    %add3A_143 = arith.addf %mul3A_140, %mul3A_142 : vector<256x768xf32>
    %convert_element_type3A_144 = arith.truncf %add3A_138 : vector<256x768xf32> to vector<256x768xbf16>
    %concatenate3A = tpu.concatenate %convert_element_type3A_44, %convert_element_type3A_144 in 1 : vector<256x768xbf16>, vector<256x768xbf16> -> vector<256x1536xbf16>
    %convert_element_type3A_145 = arith.truncf %add3A_143 : vector<256x768xf32> to vector<256x768xbf16>
    %concatenate3A_146 = tpu.concatenate %convert_element_type3A_45, %convert_element_type3A_145 in 1 : vector<256x768xbf16>, vector<256x768xbf16> -> vector<256x1536xbf16>
    %get3A_147 = arith.constant 0 : index
    %get3A_148 = arith.constant 0 : index
    %get3A_149 = vector.load %arg8[%get3A_147, %get3A_148] : memref<1536x1536xf32, #tpu.memory_space<vmem>>, vector<1536x1536xf32>
    %convert_element_type3A_150 = arith.truncf %get3A_149 : vector<1536x1536xf32> to vector<1536x1536xbf16>
    %get3A_151 = arith.constant 0 : index
    %get3A_152 = arith.constant 0 : index
    %get3A_153 = vector.load %arg9[%get3A_151, %get3A_152] : memref<768x1536xf32, #tpu.memory_space<vmem>>, vector<768x1536xf32>
    %convert_element_type3A_154 = arith.truncf %get3A_153 : vector<768x1536xf32> to vector<768x1536xbf16>
    %dot_general3A_155 = arith.constant dense<0.000000e+00> : vector<256x1536xf32>
    %dot_general3A_156 = tpu.matmul %concatenate3A, %convert_element_type3A_150, %dot_general3A_155 {dimension_numbers = #tpu.dot_dimension_numbers<[1], [1], [0], [0], [0, 0, 1, 0], [], []>, transpose_lhs_hint = false} : vector<256x1536xbf16>, vector<1536x1536xbf16>, vector<256x1536xf32> -> vector<256x1536xf32>
    %mul3A_157 = arith.constant 5.000000e-01 : f32
    %mul3A_158 = vector.broadcast %mul3A_157 : f32 to vector<256x1536xf32>
    %mul3A_159 = arith.mulf %mul3A_158, %dot_general3A_156 : vector<256x1536xf32>
    %mul3A_160 = arith.constant 0.707106769 : f32
    %mul3A_161 = vector.broadcast %mul3A_160 : f32 to vector<256x1536xf32>
    %mul3A_162 = arith.mulf %dot_general3A_156, %mul3A_161 : vector<256x1536xf32>
    %erf3A = math.erf %mul3A_162 : vector<256x1536xf32>
    %add3A_163 = arith.constant 1.000000e+00 : f32
    %add3A_164 = vector.broadcast %add3A_163 : f32 to vector<256x1536xf32>
    %add3A_165 = arith.addf %add3A_164, %erf3A : vector<256x1536xf32>
    %mul3A_166 = arith.mulf %mul3A_159, %add3A_165 : vector<256x1536xf32>
    %dot_general3A_167 = arith.constant dense<0.000000e+00> : vector<256x1536xf32>
    %dot_general3A_168 = tpu.matmul %concatenate3A_146, %convert_element_type3A_150, %dot_general3A_167 {dimension_numbers = #tpu.dot_dimension_numbers<[1], [1], [0], [0], [0, 0, 1, 0], [], []>, transpose_lhs_hint = false} : vector<256x1536xbf16>, vector<1536x1536xbf16>, vector<256x1536xf32> -> vector<256x1536xf32>
    %mul3A_169 = arith.constant 5.000000e-01 : f32
    %mul3A_170 = vector.broadcast %mul3A_169 : f32 to vector<256x1536xf32>
    %mul3A_171 = arith.mulf %mul3A_170, %dot_general3A_168 : vector<256x1536xf32>
    %mul3A_172 = arith.constant 0.707106769 : f32
    %mul3A_173 = vector.broadcast %mul3A_172 : f32 to vector<256x1536xf32>
    %mul3A_174 = arith.mulf %dot_general3A_168, %mul3A_173 : vector<256x1536xf32>
    %erf3A_175 = math.erf %mul3A_174 : vector<256x1536xf32>
    %add3A_176 = arith.constant 1.000000e+00 : f32
    %add3A_177 = vector.broadcast %add3A_176 : f32 to vector<256x1536xf32>
    %add3A_178 = arith.addf %add3A_177, %erf3A_175 : vector<256x1536xf32>
    %mul3A_179 = arith.mulf %mul3A_171, %add3A_178 : vector<256x1536xf32>
    %convert_element_type3A_180 = arith.truncf %mul3A_166 : vector<256x1536xf32> to vector<256x1536xbf16>
    %dot_general3A_181 = arith.constant dense<0.000000e+00> : vector<256x768xf32>
    %dot_general3A_182 = tpu.matmul %convert_element_type3A_180, %convert_element_type3A_154, %dot_general3A_181 {dimension_numbers = #tpu.dot_dimension_numbers<[1], [1], [0], [0], [0, 0, 1, 0], [], []>, transpose_lhs_hint = false} : vector<256x1536xbf16>, vector<768x1536xbf16>, vector<256x768xf32> -> vector<256x768xf32>
    %add3A_183 = arith.addf %select_n3A, %dot_general3A_182 : vector<256x768xf32>
    %convert_element_type3A_184 = arith.truncf %mul3A_179 : vector<256x1536xf32> to vector<256x1536xbf16>
    %dot_general3A_185 = arith.constant dense<0.000000e+00> : vector<256x768xf32>
    %dot_general3A_186 = tpu.matmul %convert_element_type3A_184, %convert_element_type3A_154, %dot_general3A_185 {dimension_numbers = #tpu.dot_dimension_numbers<[1], [1], [0], [0], [0, 0, 1, 0], [], []>, transpose_lhs_hint = false} : vector<256x1536xbf16>, vector<768x1536xbf16>, vector<256x768xf32> -> vector<256x768xf32>
    %add3A_187 = arith.addf %select_n3A_31, %dot_general3A_186 : vector<256x768xf32>
    %mul3A_188 = vector.broadcast %get3A_1 : vector<256x1xf32> to vector<256x768xf32>
    %mul3A_189 = arith.mulf %mul3A_188, %add3A_183 : vector<256x768xf32>
    %mul3A_190 = vector.broadcast %get3A_4 : vector<256x1xf32> to vector<256x768xf32>
    %mul3A_191 = arith.mulf %mul3A_190, %add3A_187 : vector<256x768xf32>
    %add3A_192 = arith.addf %mul3A_189, %mul3A_191 : vector<256x768xf32>
    %swap3A = arith.constant 0 : index
    %swap3A_193 = arith.constant 0 : index
    %swap3A_194 = vector.load %arg10[%swap3A, %swap3A_193] : memref<256x768xf32, #tpu.memory_space<vmem>>, vector<256x768xf32>
    tpu.vector_store %arg10[%swap3A, %swap3A_193], %add3A_192 {strides = array<i32>} : memref<256x768xf32, #tpu.memory_space<vmem>>, vector<256x768xf32>,
    return
  }
  func.func @transform_0(%arg0: i32) -> (i32, i32) {
    %c0_i32 = arith.constant 0 : i32
    %c0_i32_0 = arith.constant 0 : i32
    return %arg0, %c0_i32 : i32, i32
  }
  func.func @transform_1(%arg0: i32) -> (i32, i32) {
    %add3A = arith.constant 16 : i32
    %add3A_0 = arith.addi %add3A, %arg0 : i32
    %c0_i32 = arith.constant 0 : i32
    %c0_i32_1 = arith.constant 0 : i32
    return %add3A_0, %c0_i32 : i32, i32
  }
  func.func @transform_2(%arg0: i32) -> (i32, i32) {
    %c0_i32 = arith.constant 0 : i32
    %c0_i32_0 = arith.constant 0 : i32
    return %arg0, %c0_i32 : i32, i32
  }
  func.func @transform_3(%arg0: i32) -> (i32, i32) {
    %c0_i32 = arith.constant 0 : i32
    %c0_i32_0 = arith.constant 0 : i32
    return %arg0, %c0_i32 : i32, i32
  }
  func.func @transform_4(%arg0: i32) -> (i32, i32) {
    %c0_i32 = arith.constant 0 : i32
    %c0_i32_0 = arith.constant 0 : i32
    %c0_i32_1 = arith.constant 0 : i32
    return %c0_i32, %c0_i32_0 : i32, i32
  }
  func.func @transform_5(%arg0: i32) -> (i32, i32) {
    %c0_i32 = arith.constant 0 : i32
    %c0_i32_0 = arith.constant 0 : i32
    %c0_i32_1 = arith.constant 0 : i32
    return %c0_i32, %c0_i32_0 : i32, i32
  }
  func.func @transform_6(%arg0: i32) -> (i32, i32) {
    %c0_i32 = arith.constant 0 : i32
    %c0_i32_0 = arith.constant 0 : i32
    %c0_i32_1 = arith.constant 0 : i32
    return %c0_i32, %c0_i32_0 : i32, i32
  }
  func.func @transform_7(%arg0: i32) -> (i32, i32) {
    %c0_i32 = arith.constant 0 : i32
    %c0_i32_0 = arith.constant 0 : i32
    %c0_i32_1 = arith.constant 0 : i32
    return %c0_i32, %c0_i32_0 : i32, i32
  }
  func.func @transform_8(%arg0: i32) -> (i32, i32) {
    %c0_i32 = arith.constant 0 : i32
    %c0_i32_0 = arith.constant 0 : i32
    %c0_i32_1 = arith.constant 0 : i32
    return %c0_i32, %c0_i32_0 : i32, i32
  }
  func.func @transform_9(%arg0: i32) -> (i32, i32) {
    %c0_i32 = arith.constant 0 : i32
    %c0_i32_0 = arith.constant 0 : i32
    return %arg0, %c0_i32 : i32, i32
  }
}

</mosaic_0001>

<sc_bundles>
// kernel: kernel.10.cloned.1.call-start
scs
__scs_entry_jumppad:
0x0: {  	(pc) =	sbr.rel $0x88, $3  }
0x1: {  	(tag) =	ssettag $0x0;
	lr =	simm.s32 $0x1  }
0x2: {  	[smem:$0x3F98] =	sst lr;
	_ =	strace $0xD0000000  }
0x3: {  	_ = 	snop  }
0x4: {  	_ = 	snop  }
0x5: {  	_ = 	snop  }
0x6: {  	_ = 	snop  }
0x7: {  	_ = 	snop  }
__scs_overlays_trampoline_lowered:
0x8: {  	[smem:$0x3FA7] =	sst s0  }
0x9: {  	[smem:$0x3FA8] =	sst s1  }
0xa: {  	[smem:$0x3FA9] =	sst s2  }
0xb: {  	[smem:$0x3FAA] =	sst s3  }
0xc: {  	[smem:$0x3FAB] =	sst s4  }
0xd: {  	[smem:$0x3FAC] =	sst s5  }
0xe: {  	[smem:$0x3FAD] =	sst s6  }
0xf: {  	[smem:$0x3FAE] =	sst s7  }
0x10: {  	[smem:$0x3FAF] =	sst s8  }
0x11: {  	[smem:$0x3FB0] =	sst s9;
	s0 =	simm.s32 @!p0 $0x0  }
0x12: {  	s1 =	sld [smem:$0x3F96];
	s0 =	simm.s32 @p0 $0x1  }
0x13: {  	[smem:$0x3FB1] =	sst s0;
	s0 =	simm.s32 @!p1 $0x0  }
0x14: {  	s2 =	sld [smem:$0x3F95];
	s0 =	simm.s32 @p1 $0x1  }
0x15: {  	[smem:$0x3FB2] =	sst s0;
	s0 =	simm.s32 @!p2 $0x0  }
0x16: {  	s3 =	sld [smem:$0x3FDB];
	s0 =	simm.s32 @p2 $0x1  }
0x17: {  	s4 =	simm.s32 $0x1BF5;
	[smem:$0x3FB4] =	sst s0  }
0x18: {  	s0 =	sld [smem:$0x3F97];
	_ =	swait.ge [sflag:s4], $0x0  }
0x19: {  	s7 =	sld [smem:$0x3F98]  }
0x1a: {  	s8 =	sadd.s32 $0xFFFFE003, lr  }
0x1b: {  	s9 =	sadd.s32 $0xFFFFFEF7, lr;
	s5 =	simm.s32 $0xFFFFFFFF;
	p2 =	slt.u32 s8, $0xFFFFF086  }
0x1c: {  	p1 =	slt.u32 s9, $0xF7A;
	s5 =	simm.s32 @!p2 $0x0  }
0x1d: {  	s5 =	simm.s32 @p1 $0x1;
	p0 =	seq.s32 s7, s2  }
0x1e: {  	s7 =	smul.u32 @!p0 $0xF7A, s2;
	p2 =	seq.s32 @!p0 s5, $0x0  }
0x1f: {  	s9 =	smul.u32 $0xF7A, s1;
	s8 =	simm.s32 @!p0 $0x1BF5;
	p2 =	por !p2, p0  }
0x20: {  	[sflag:s8] =	ssyncset.s32 @!p0 $0xFFFFF086;
	s6 =	sadd.s32 @!p0 s3, s7;
	s7 =	simm.s32 @!p0 $0x108  }
0x21: {  	s3 =	sadd.s32 s3, s9;
	s6 =	sadd.s32 @!p0 $0x88, s6;
	s7 =	simm.s32 @p2 $0x1082  }
0x22: {  	[simem:s7], [sflag:s8] =	dma.local @!p0 [hbm:s6], $0xF7A  }
0x23: {  	s9 =	sor.u32 $0xD0000000, s2;
	s6 =	simm.s32 $0x108;
	_ =	swait.ge @!p0 [sflag:s8], $0x0  }
0x24: {  	s3 =	sadd.s32 $0x88, s3;
	s6 =	simm.s32 @!p1 $0x1082;
	[sflag:s4] =	ssyncset.s32 $0xFFFFF086  }
0x25: {  	[simem:s6], [sflag:s4] =	dma.local [hbm:s3], $0xF7A  }
0x26: {  	[smem:$0x3F98] =	sst s1;
	(tag) =	ssettag s2;
	_ =	strace s9  }
0x27: {  	s1 =	sld [smem:$0x3FA8]  }
0x28: {  	s2 =	sld [smem:$0x3FA9]  }
0x29: {  	s4 =	sld [smem:$0x3FAB]  }
0x2a: {  	p0 =	seq.s32 s5, $0x0;
	s5 =	sld [smem:$0x3FAC]  }
0x2b: {  	s6 =	sld [smem:$0x3FAD]  }
0x2c: {  	s7 =	sld [smem:$0x3FAE]  }
0x2d: {  	s3 =	simm.s32 $0x108;
	s8 =	sld [smem:$0x3FAF]  }
0x2e: {  	s3 =	simm.s32 @!p0 $0x1082;
	s9 =	sld [smem:$0x3FB0]  }
0x2f: {  	lr =	sadd.s32 s0, s3;
	s0 =	sld [smem:$0x3FA7]  }
0x30: {  	s3 =	sld [smem:$0x3FAA]  }
0x31: {  	[smem:$0x3FB3] =	sst s10  }
0x32: {  	s10 =	sld [smem:$0x3FB1];
	_ =	sdelay $0x3  }
0x33: {  	p0 =	seq.s32 s10, $0x1;
	s10 =	sld [smem:$0x3FB3];
	_ =	sdelay $0x3  }
0x34: {  	[smem:$0x3FB3] =	sst s10  }
0x35: {  	s10 =	sld [smem:$0x3FB2];
	_ =	sdelay $0x3  }
0x36: {  	p1 =	seq.s32 s10, $0x1;
	s10 =	sld [smem:$0x3FB3];
	_ =	sdelay $0x3  }
0x37: {  	[smem:$0x3FB3] =	sst s10  }
0x38: {  	s10 =	sld [smem:$0x3FB4]  }
0x39: {  	_ = 	snop;
	(pc) =	sbr.ind lr, $3  }
0x3a: {  	_ = 	snop  }
0x3b: {  	_ = 	snop  }
0x3c: {  	p2 =	seq.s32 s10, $0x1;
	s10 =	sld [smem:$0x3FB3]  }
0x3d: {  	_ =	shalt  }
0x3e: {  	_ =	shalt  }
0x3f: {  	_ =	shalt  }
0x40: {  	_ =	shalt  }
0x41: {  	_ =	shalt  }
0x42: {  	_ =	shalt  }
0x43: {  	_ =	shalt  }
0x44: {  	_ =	shalt  }
0x45: {  	_ =	shalt  }
0x46: {  	_ =	shalt  }
0x47: {  	_ =	shalt  }
0x48: {  	_ =	shalt  }
0x49: {  	_ =	shalt  }
0x4a: {  	_ =	shalt  }
0x4b: {  	_ =	shalt  }
0x4c: {  	_ =	shalt  }
0x4d: {  	_ =	shalt  }
0x4e: {  	_ =	shalt  }
0x4f: {  	_ =	shalt  }
0x50: {  	_ =	shalt  }
0x51: {  	_ =	shalt  }
0x52: {  	_ =	shalt  }
0x53: {  	_ =	shalt  }
0x54: {  	_ =	shalt  }
0x55: {  	_ =	shalt  }
0x56: {  	_ =	shalt  }
0x57: {  	_ =	shalt  }
0x58: {  	_ =	shalt  }
0x59: {  	_ =	shalt  }
0x5a: {  	_ =	shalt  }
0x5b: {  	_ =	shalt  }
0x5c: {  	_ =	shalt  }
0x5d: {  	_ =	shalt  }
0x5e: {  	_ =	shalt  }
0x5f: {  	_ =	shalt  }
0x60: {  	_ =	shalt  }
0x61: {  	_ =	shalt  }
0x62: {  	_ =	shalt  }
0x63: {  	_ =	shalt  }
0x64: {  	_ =	shalt  }
0x65: {  	_ =	shalt  }
0x66: {  	_ =	shalt  }
0x67: {  	_ =	shalt  }
0x68: {  	_ =	shalt  }
0x69: {  	_ =	shalt  }
0x6a: {  	_ =	shalt  }
0x6b: {  	_ =	shalt  }
0x6c: {  	_ =	shalt  }
0x6d: {  	_ =	shalt  }
0x6e: {  	_ =	shalt  }
0x6f: {  	_ =	shalt  }
0x70: {  	_ =	shalt  }
0x71: {  	_ =	shalt  }
0x72: {  	_ =	shalt  }
0x73: {  	_ =	shalt  }
0x74: {  	_ =	shalt  }
0x75: {  	_ =	shalt  }
0x76: {  	_ =	shalt  }
0x77: {  	_ =	shalt  }
0x78: {  	_ =	shalt  }
0x79: {  	_ =	shalt  }
0x7a: {  	_ =	shalt  }
0x7b: {  	_ =	shalt  }
0x7c: {  	_ =	shalt  }
0x7d: {  	_ =	shalt  }
0x7e: {  	_ =	shalt  }
0x7f: {  	_ =	shalt  }
0x80: {  	_ =	shalt  }
0x81: {  	_ =	shalt  }
0x82: {  	_ =	shalt  }
0x83: {  	_ =	shalt  }
0x84: {  	_ =	shalt  }
0x85: {  	_ =	shalt  }
0x86: {  	_ =	shalt  }
0x87: {  	_ =	shalt  }
.Lfunc_end0:
.L_simem_size_0:
called_computation.1_lowered:
.L_overlay_start_0:
0x88: {  	s2 =	sld [smem:$0x3FD9]  }
0x89: {  	s3 =	sld [smem:$0x3FFE];
	_ =	sdelay $0x1  }
0x8a: {  	s1 =	srdreg.scid  }
0x8b: {  	s0 =	sand.u32 $0x1, s1  }
0x8c: {  	s16 =	sshll.u32 s0, $0xA;
	s2 =	sadd.s32 s3, s2  }
0x8d: {  	s2 =	sadd.s32 s2, s16  }
0x8e: {  	[smem:$0x3FBF] =	sst s2  }
0x8f: {  	_ = 	snop  }
0x90: {  	(tm) =	ssettm $0x1  }
0x91: {  	s17 =	sld [smem:$0x3FFB];
	_ =	sdelay $0x3  }
0x92: {  	_ =	strace s17  }
0x93: {  	s2 =	sld [smem:$0x3FFC];
	_ =	sdelay $0x3  }
0x94: {  	_ =	strace s2  }
0x95: {  	s2 =	sld [smem:$0x3FFD];
	_ =	sdelay $0x3  }
0x96: {  	_ =	strace s2  }
0x97: {  	_ =	strace $0x8FFFFFFF  }
0x98: {  	s18 =	sld [smem:$0x3FDB];
	_ =	sdelay $0x1  }
0x99: {  	s19 =	simm.s32 $_scs_section_size  }
0x9a: {  	s4 =	simm.s32 $_size__tile_overlayer_lowered;
	s5 =	simm.s32 $_tile_overlayer_lowered  }
0x9b: {  	s22 =	simm.s32 $0x1BFF;
	s21 =	sshll.u32 s5, $0x1;
	s2 =	sadd.s32 s19, s18  }
0x9c: {  	s6 =	simm.s32 $0x0;
	s20 =	sshll.u32 s4, $0x1;
	s4 =	sadd.s32 s21, s2  }
0x9d: {  	[timem:s6], [sflag:s22] =	dma.local [hbm:s4], s20  }
0x9e: {  	_ =	swait.ge [sflag:s22], s20  }
0x9f: {  	s3 =	ssub.s32 $0x0, s20;
	[sflag:s22] =	ssyncset.done $0x0  }
0xa0: {  	[sflag:s22] =	ssyncadd.s32 s3;
	_ =	sdelay $0x1  }
0xa1: {  	s23 =	simm.s32 $0x1B8B  }
0xa2: {  	_ =	swait.ge [sflag:s23], $0x1  }
0xa3: {  	[sflag:s23] =	ssyncset.done $0x0  }
0xa4: {  	s25 =	simm.s32 $0x1B8E;
	s24 =	sld [smem:$0x3FFE];
	[sflag:s23] =	ssyncadd.s32 $0xFFFFFFFF  }
0xa5: {  	s26 =	simm.s32 $execute0_lowered;
	[smem:$0x3FD2] =	sst s25  }
0xa6: {  	s4 =	sshll.u32 s26, $0x1;
	_ =	strace $0x80000049;
	[dreg:$0x1] =	wrdreg $0xFFFFFFFF  }
0xa7: {  	s28 =	simm.s32 $_size_execute0_lowered;
	s2 =	sadd.s32 s2, s4;
	[dreg:$0x0] =	wrdreg $0x0  }
0xa8: {  	s4 =	sshll.u32 s28, $0x1;
	[dreg:$0x2] =	wrdreg s2  }
0xa9: {  	[dreg:$0x3] =	wrdreg s4  }
0xaa: {  	[dreg:$0x4] =	wrdreg $0xC0  }
0xab: {  	_ =	task [dreg:s6], $0x5FFFF  }
0xac: {  	[dreg:$0x1] =	wrdreg $0xFFFFFFFF  }
0xad: {  	[dreg:$0x0] =	wrdreg $0x60  }
0xae: {  	[dreg:$0x2] =	wrdreg s24  }
0xaf: {  	[dreg:$0x3] =	wrdreg $0x9  }
0xb0: {  	_ =	task.clear_ibuf [dreg:s6], $0x4FFFF;
	_ =	strace $0x90000049  }
0xb1: {  	s29 =	simm.s32 $0x9;
	_ =	strace $0x8000004B  }
0xb2: {  	_ =	swait.ge [sflag:s29], $0x1  }
0xb3: {  	[sflag:s29] =	ssyncadd.s32 $0xFFFFFFFF  }
0xb4: {  	_ =	strace $0x9000004B  }
0xb5: {  	_ =	sfence  }
0xb6: {  	s30 =	sld [smem:$0x0];
	_ =	sdelay $0x2  }
0xb7: {  	s31 =	sshll.u32 s1, $0xD;
	s1 =	sshrl.u32 s1, $0x2  }
0xb8: {  	s3 =	sand.u32 $0x4000, s31;
	s1 =	sadd.s32 s1, s30  }
0xb9: {  	s0 =	sor.u32 s3, s0;
	s1 =	sshll.u32 s1, $0x11  }
0xba: {  	s0 =	sor.u32 s1, s0  }
0xbb: {  	s0 =	sadd.s32 $0x8F2B, s0  }
0xbc: {  	[sflag:s0] =	ssyncadd.remote.s32 $0x1  }
0xbd: {  	_ =	sfence.sel $0xFFFF  }
0xbe: {  	[dreg:$0x0] =	wrdreg $0xFFFFFFFF;
	(pc) =	sbr.abs _section_cstart, $3  }
0xbf: {  	[dreg:$0x1] =	wrdreg $0xFFFFFFFF  }
0xc0: {  	_ =	task.clear_ibuf [dreg:s6], $0x2FFFF;
	_ =	strace $0x9FFFFFFF  }
0xc1: {  	(tm) =	ssettm $0x7FFFFFFF  }
tec
execute0_lowered:
.L_overlay_start_1:
0x0: {  	(tag) =	ssettag $0x1  }
0x1: {  	s0 =	rddreg [dreg:$0x0];
	s1 =	srdreg.scid  }
0x2: {  	s3 =	stileid.u32;
	s2 =	simm.s32 $0x0;
	s10 =	simm.s32 $0x1  }
0x3: {  	s12 =	simm.s32 $0x2;
	s14 =	simm.s32 $0x900;
	s15 =	simm.s32 $0x1100  }
0x4: {  	s16 =	simm.s32 $0x1900;
	s17 =	simm.s32 $0x2100;
	s18 =	simm.s32 $0x2900  }
0x5: {  	s19 =	simm.s32 $0x3100;
	s20 =	simm.s32 $0x3900;
	s21 =	simm.s32 $0x4100  }
0x6: {  	s22 =	simm.s32 $0x4900;
	s28 =	simm.s32 $0x7100;
	s29 =	simm.s32 $0x7900  }
0x7: {  	s30 =	simm.s32 $0x8100;
	s31 =	simm.s32 $0x8900;
	s1 =	sand.u32 $0x1, s1  }
0x8: {  	s11 =	simm.s32 $0xA100;
	s3 =	sshll.u32 s3, $0x6;
	s4 =	sshll.u32 s1, $0x5  }
0x9: {  	[smem:$0x7FF] =	sst s2;
	s7 =	sadd.s32 $0x21000, s0;
	s4 =	sor.u32 s4, s3  }
0xa: {  	_ =	strace $0x8000004A;
	s1 =	ssub.s32 $0x2, s1;
	s5 =	smul.u32 $0x300, s4  }
0xb: {  	s3 =	sadd.s32 $0x112000, s0;
	s8 =	sshrl.u32 s1, $0x1;
	s6 =	smul.u32 $0x1800, s4  }
0xc: {  	s4 =	sadd.s32 s4, s0;
	s1 =	ssub.s32 s1, s8;
	s8 =	simm.s32 $0xA900  }
0xd: {  	s4 =	sadd.s32 $0x111C00, s4;
	s9 =	sadd.s32 s7, s5;
	s23 =	sshrl.u32 s6, $0x3  }
0xe: {  	[dreg:$0x2] =	wrdreg s4;
	s5 =	sadd.s32 $0x112100, s0;
	s4 =	simm.s32 $0x100  }
0xf: {  	[dreg:$0x6] =	wrdreg s9;
	s24 =	sadd.s32 $0x1800, s9;
	s6 =	sadd.s32 s7, s23  }
0x10: {  	s7 =	smax.u32 s1, $0x1;
	s23 =	simm.s32 $0x5100;
	s9 =	simm.s32 $0xB100  }
0x11: {  	v2 =	vlaneseq.u32;
	[dreg:$0x3] =	wrdreg s24;
	s25 =	sadd.s32 $0x3000, s6;
	s26 =	sadd.s32 $0x4800, s6  }
0x12: {  	vm0 =	vmmov $0xffff;
	v1 =	vshrl.u32 v2, $0x3;
	s6 =	sadd.s32 $0x112200, s0;
	s24 =	simm.s32 $0x5900;
	[dreg:$0x4] =	wrdreg s25  }
0x13: {  	v0 =	vand.u32 $0x7, v2;
	v2 =	vor.u32 $0x8, v2;
	v1 =	vmul.u32 $0x8, v1;
	[dreg:$0x5] =	wrdreg s26;
	s25 =	simm.s32 $0x6100;
	s26 =	simm.s32 $0x6900  }
.LBB2_1:
0x14: {  	s13 =	rddreg [dreg:$0x2];
	s0 =	simm.s32 $0x3  }
0x15: {  	[tilespmem:s2], [sflag:$0x3] =	stream.linear.gather [hbm4b:s13+s2], $0x100, $0x38;
	[tilespmem:$0x18100] =	vst v63  }
0x16: {  	_ =	swait.ge [sflag:s0], $0x100  }
0x17: {  	[sflag:s0] =	ssyncset.done $0x0  }
0x18: {  	[sflag:s0] =	ssyncadd.s32 $0xFFFFFF00  }
0x19: {  	v3 =	vld [tilespmem:$0x0];
	_ =	sdelay $0x4  }
0x1a: {  	v4 =	vshrl.u32 v3, $0x3  }
0x1b: {  	v4 =	vmul.u32 $0x30, v4  }
0x1c: {  	v3 =	vand.u32 $0x7, v3  }
0x1d: {  	v3 =	vor.u32 v3, v4  }
0x1e: {  	v4 =	vperm.xlane v3, v0;
	_ =	sdelay $0x1  }
0x1f: {  	v4 =	vadd.s32 v1, v4;
	_ =	sdelay $0x3  }
0x20: {  	v3 =	vperm.xlane v3, v2  }
0x21: {  	[tilespmem:s4], [sflag:$0x1] =	stream.indirect_vreg.gather [hbm4b:s3+s2], $0x80, v4, vm0, $0xb8;
	[tilespmem:$0x18100] =	vst v63  }
0x22: {  	v3 =	vadd.s32 v1, v3  }
0x23: {  	[tilespmem:s14], [sflag:$0x1] =	stream.indirect_vreg.gather [hbm4b:s5+s2], $0x80, v4, vm0, $0xb8;
	[tilespmem:$0x18100] =	vst v63  }
0x24: {  	_ = 	snop  }
0x25: {  	[tilespmem:s15], [sflag:$0x1] =	stream.indirect_vreg.gather [hbm4b:s6+s2], $0x80, v4, vm0, $0xb8;
	[tilespmem:$0x18100] =	vst v63  }
0x26: {  	_ = 	snop  }
0x27: {  	[tilespmem:s16], [sflag:$0x1] =	stream.indirect_vreg.gather [hbm4b:s3+s2], $0x80, v3, vm0, $0xb8;
	[tilespmem:$0x18100] =	vst v63  }
0x28: {  	_ = 	snop  }
0x29: {  	[tilespmem:s17], [sflag:$0x1] =	stream.indirect_vreg.gather [hbm4b:s5+s2], $0x80, v3, vm0, $0xb8;
	[tilespmem:$0x18100] =	vst v63  }
0x2a: {  	_ = 	snop  }
0x2b: {  	[tilespmem:s18], [sflag:$0x1] =	stream.indirect_vreg.gather [hbm4b:s6+s2], $0x80, v3, vm0, $0xb8;
	[tilespmem:$0x18100] =	vst v63  }
0x2c: {  	v3 =	vld [tilespmem:$0x10];
	_ =	sdelay $0x4  }
0x2d: {  	v49 =	vshrl.u32 v3, $0x3  }
0x2e: {  	v4 =	vmul.u32 $0x30, v49  }
0x2f: {  	v3 =	vand.u32 $0x7, v3  }
0x30: {  	v3 =	vor.u32 v3, v4  }
0x31: {  	v4 =	vperm.xlane v3, v0;
	_ =	sdelay $0x1  }
0x32: {  	v4 =	vadd.s32 v1, v4;
	_ =	sdelay $0x3  }
0x33: {  	v3 =	vperm.xlane v3, v2  }
0x34: {  	[tilespmem:s19], [sflag:$0x1] =	stream.indirect_vreg.gather [hbm4b:s3+s2], $0x80, v4, vm0, $0xb8;
	[tilespmem:$0x18100] =	vst v63  }
0x35: {  	v3 =	vadd.s32 v1, v3  }
0x36: {  	[tilespmem:s20], [sflag:$0x1] =	stream.indirect_vreg.gather [hbm4b:s5+s2], $0x80, v4, vm0, $0xb8;
	[tilespmem:$0x18100] =	vst v63  }
0x37: {  	_ = 	snop  }
0x38: {  	[tilespmem:s21], [sflag:$0x1] =	stream.indirect_vreg.gather [hbm4b:s6+s2], $0x80, v4, vm0, $0xb8;
	[tilespmem:$0x18100] =	vst v63  }
0x39: {  	_ = 	snop  }
0x3a: {  	[tilespmem:s22], [sflag:$0x1] =	stream.indirect_vreg.gather [hbm4b:s3+s2], $0x80, v3, vm0, $0xb8;
	[tilespmem:$0x18100] =	vst v63  }
0x3b: {  	_ = 	snop  }
0x3c: {  	[tilespmem:s23], [sflag:$0x1] =	stream.indirect_vreg.gather [hbm4b:s5+s2], $0x80, v3, vm0, $0xb8;
	[tilespmem:$0x18100] =	vst v63  }
0x3d: {  	_ = 	snop  }
0x3e: {  	[tilespmem:s24], [sflag:$0x1] =	stream.indirect_vreg.gather [hbm4b:s6+s2], $0x80, v3, vm0, $0xb8;
	[tilespmem:$0x18100] =	vst v63  }
0x3f: {  	v3 =	vld [tilespmem:$0x20];
	_ =	sdelay $0x4  }
0x40: {  	v50 =	vshrl.u32 v3, $0x3  }
0x41: {  	v4 =	vmul.u32 $0x30, v50  }
0x42: {  	v3 =	vand.u32 $0x7, v3  }
0x43: {  	v3 =	vor.u32 v3, v4  }
0x44: {  	v4 =	vperm.xlane v3, v0;
	_ =	sdelay $0x1  }
0x45: {  	v4 =	vadd.s32 v1, v4;
	_ =	sdelay $0x3  }
0x46: {  	v3 =	vperm.xlane v3, v2  }
0x47: {  	[tilespmem:s25], [sflag:$0x1] =	stream.indirect_vreg.gather [hbm4b:s3+s2], $0x80, v4, vm0, $0xb8;
	[tilespmem:$0x18100] =	vst v63  }
0x48: {  	v3 =	vadd.s32 v1, v3  }
0x49: {  	[tilespmem:s26], [sflag:$0x1] =	stream.indirect_vreg.gather [hbm4b:s5+s2], $0x80, v4, vm0, $0xb8;
	[tilespmem:$0x18100] =	vst v63  }
0x4a: {  	_ = 	snop  }
0x4b: {  	[tilespmem:s28], [sflag:$0x1] =	stream.indirect_vreg.gather [hbm4b:s6+s2], $0x80, v4, vm0, $0xb8;
	[tilespmem:$0x18100] =	vst v63  }
0x4c: {  	_ = 	snop  }
0x4d: {  	[tilespmem:s29], [sflag:$0x1] =	stream.indirect_vreg.gather [hbm4b:s3+s2], $0x80, v3, vm0, $0xb8;
	[tilespmem:$0x18100] =	vst v63  }
0x4e: {  	_ = 	snop  }
0x4f: {  	[tilespmem:s30], [sflag:$0x1] =	stream.indirect_vreg.gather [hbm4b:s5+s2], $0x80, v3, vm0, $0xb8;
	[tilespmem:$0x18100] =	vst v63  }
0x50: {  	_ = 	snop  }
0x51: {  	[tilespmem:s31], [sflag:$0x1] =	stream.indirect_vreg.gather [hbm4b:s6+s2], $0x80, v3, vm0, $0xb8;
	[tilespmem:$0x18100] =	vst v63  }
0x52: {  	v3 =	vld [tilespmem:$0x30];
	_ =	sdelay $0x4  }
0x53: {  	v51 =	vshrl.u32 v3, $0x3  }
0x54: {  	v4 =	vmul.u32 $0x30, v51  }
0x55: {  	v3 =	vand.u32 $0x7, v3  }
0x56: {  	v3 =	vor.u32 v3, v4  }
0x57: {  	v4 =	vperm.xlane v3, v0;
	_ =	sdelay $0x1  }
0x58: {  	v4 =	vadd.s32 v1, v4;
	_ =	sdelay $0x3  }
0x59: {  	s1 =	simm.s32 $0x9100;
	v3 =	vperm.xlane v3, v2  }
0x5a: {  	[tilespmem:s1], [sflag:$0x1] =	stream.indirect_vreg.gather [hbm4b:s3+s2], $0x80, v4, vm0, $0xb8;
	[tilespmem:$0x18100] =	vst v63  }
0x5b: {  	v3 =	vadd.s32 v1, v3;
	s1 =	simm.s32 $0x9900  }
0x5c: {  	[tilespmem:s1], [sflag:$0x1] =	stream.indirect_vreg.gather [hbm4b:s5+s2], $0x80, v4, vm0, $0xb8;
	[tilespmem:$0x18100] =	vst v63  }
0x5d: {  	_ = 	snop  }
0x5e: {  	[tilespmem:s11], [sflag:$0x1] =	stream.indirect_vreg.gather [hbm4b:s6+s2], $0x80, v4, vm0, $0xb8;
	[tilespmem:$0x18100] =	vst v63  }
0x5f: {  	_ = 	snop  }
0x60: {  	[tilespmem:s8], [sflag:$0x1] =	stream.indirect_vreg.gather [hbm4b:s3+s2], $0x80, v3, vm0, $0xb8;
	[tilespmem:$0x18100] =	vst v63  }
0x61: {  	_ = 	snop  }
0x62: {  	[tilespmem:s9], [sflag:$0x1] =	stream.indirect_vreg.gather [hbm4b:s5+s2], $0x80, v3, vm0, $0xb8;
	[tilespmem:$0x18100] =	vst v63  }
0x63: {  	s13 =	simm.s32 $0xB900  }
0x64: {  	[tilespmem:s13], [sflag:$0x1] =	stream.indirect_vreg.gather [hbm4b:s6+s2], $0x80, v3, vm0, $0xb8;
	[tilespmem:$0x18100] =	vst v63  }
0x65: {  	_ =	swait.ge [sflag:s10], $0xC000  }
0x66: {  	[sflag:s10] =	ssyncset.done $0x0  }
0x67: {  	s0 =	rddreg [dreg:$0x6];
	[sflag:s10] =	ssyncadd.s32 $0xFFFF4000  }
0x68: {  	[hbm4b:s0+s2] =	stream.linear.scatter [tilespmem:s4], [sflag:$0x2], $0xC000, $0x38;
	[tilespmem:$0x18100] =	vst v63  }
0x69: {  	v3 =	vld [tilespmem:$0x40];
	_ =	sdelay $0x4  }
0x6a: {  	v52 =	vshrl.u32 v3, $0x3  }
0x6b: {  	v4 =	vmul.u32 $0x30, v52  }
0x6c: {  	v3 =	vand.u32 $0x7, v3  }
0x6d: {  	v3 =	vor.u32 v3, v4  }
0x6e: {  	v4 =	vperm.xlane v3, v0;
	_ =	sdelay $0x1  }
0x6f: {  	v4 =	vadd.s32 v1, v4;
	_ =	sdelay $0x3  }
0x70: {  	s0 =	simm.s32 $0xC100;
	v3 =	vperm.xlane v3, v2  }
0x71: {  	[tilespmem:s0], [sflag:$0x1] =	stream.indirect_vreg.gather [hbm4b:s3+s2], $0x80, v4, vm0, $0xb8;
	[tilespmem:$0x18100] =	vst v63  }
0x72: {  	s13 =	simm.s32 $0xC900;
	v3 =	vadd.s32 v1, v3  }
0x73: {  	[tilespmem:s13], [sflag:$0x1] =	stream.indirect_vreg.gather [hbm4b:s5+s2], $0x80, v4, vm0, $0xb8;
	[tilespmem:$0x18100] =	vst v63  }
0x74: {  	s13 =	simm.s32 $0xD100  }
0x75: {  	[tilespmem:s13], [sflag:$0x1] =	stream.indirect_vreg.gather [hbm4b:s6+s2], $0x80, v4, vm0, $0xb8;
	[tilespmem:$0x18100] =	vst v63  }
0x76: {  	s13 =	simm.s32 $0xD900  }
0x77: {  	[tilespmem:s13], [sflag:$0x1] =	stream.indirect_vreg.gather [hbm4b:s3+s2], $0x80, v3, vm0, $0xb8;
	[tilespmem:$0x18100] =	vst v63  }
0x78: {  	s13 =	simm.s32 $0xE100  }
0x79: {  	[tilespmem:s13], [sflag:$0x1] =	stream.indirect_vreg.gather [hbm4b:s5+s2], $0x80, v3, vm0, $0xb8;
	[tilespmem:$0x18100] =	vst v63  }
0x7a: {  	s13 =	simm.s32 $0xE900  }
0x7b: {  	[tilespmem:s13], [sflag:$0x1] =	stream.indirect_vreg.gather [hbm4b:s6+s2], $0x80, v3, vm0, $0xb8;
	[tilespmem:$0x18100] =	vst v63  }
0x7c: {  	v3 =	vld [tilespmem:$0x50];
	_ =	sdelay $0x4  }
0x7d: {  	v53 =	vshrl.u32 v3, $0x3  }
0x7e: {  	v4 =	vmul.u32 $0x30, v53  }
0x7f: {  	v3 =	vand.u32 $0x7, v3  }
0x80: {  	v3 =	vor.u32 v3, v4  }
0x81: {  	v4 =	vperm.xlane v3, v0;
	_ =	sdelay $0x1  }
0x82: {  	v4 =	vadd.s32 v1, v4;
	_ =	sdelay $0x3  }
0x83: {  	s13 =	simm.s32 $0xF100;
	v3 =	vperm.xlane v3, v2  }
0x84: {  	[tilespmem:s13], [sflag:$0x1] =	stream.indirect_vreg.gather [hbm4b:s3+s2], $0x80, v4, vm0, $0xb8;
	[tilespmem:$0x18100] =	vst v63  }
0x85: {  	v3 =	vadd.s32 v1, v3;
	s13 =	simm.s32 $0xF900  }
0x86: {  	[tilespmem:s13], [sflag:$0x1] =	stream.indirect_vreg.gather [hbm4b:s5+s2], $0x80, v4, vm0, $0xb8;
	[tilespmem:$0x18100] =	vst v63  }
0x87: {  	s13 =	simm.s32 $0x10100  }
0x88: {  	[tilespmem:s13], [sflag:$0x1] =	stream.indirect_vreg.gather [hbm4b:s6+s2], $0x80, v4, vm0, $0xb8;
	[tilespmem:$0x18100] =	vst v63  }
0x89: {  	s13 =	simm.s32 $0x10900  }
0x8a: {  	[tilespmem:s13], [sflag:$0x1] =	stream.indirect_vreg.gather [hbm4b:s3+s2], $0x80, v3, vm0, $0xb8;
	[tilespmem:$0x18100] =	vst v63  }
0x8b: {  	s13 =	simm.s32 $0x11100  }
0x8c: {  	[tilespmem:s13], [sflag:$0x1] =	stream.indirect_vreg.gather [hbm4b:s5+s2], $0x80, v3, vm0, $0xb8;
	[tilespmem:$0x18100] =	vst v63  }
0x8d: {  	s13 =	simm.s32 $0x11900  }
0x8e: {  	[tilespmem:s13], [sflag:$0x1] =	stream.indirect_vreg.gather [hbm4b:s6+s2], $0x80, v3, vm0, $0xb8;
	[tilespmem:$0x18100] =	vst v63  }
0x8f: {  	v3 =	vld [tilespmem:$0x60];
	_ =	sdelay $0x4  }
0x90: {  	v54 =	vshrl.u32 v3, $0x3  }
0x91: {  	v4 =	vmul.u32 $0x30, v54  }
0x92: {  	v3 =	vand.u32 $0x7, v3  }
0x93: {  	v3 =	vor.u32 v3, v4  }
0x94: {  	v4 =	vperm.xlane v3, v0;
	_ =	sdelay $0x1  }
0x95: {  	v4 =	vadd.s32 v1, v4;
	_ =	sdelay $0x3  }
0x96: {  	s13 =	simm.s32 $0x12100;
	v3 =	vperm.xlane v3, v2  }
0x97: {  	[tilespmem:s13], [sflag:$0x1] =	stream.indirect_vreg.gather [hbm4b:s3+s2], $0x80, v4, vm0, $0xb8;
	[tilespmem:$0x18100] =	vst v63  }
0x98: {  	v3 =	vadd.s32 v1, v3;
	s13 =	simm.s32 $0x12900  }
0x99: {  	[tilespmem:s13], [sflag:$0x1] =	stream.indirect_vreg.gather [hbm4b:s5+s2], $0x80, v4, vm0, $0xb8;
	[tilespmem:$0x18100] =	vst v63  }
0x9a: {  	s13 =	simm.s32 $0x13100  }
0x9b: {  	[tilespmem:s13], [sflag:$0x1] =	stream.indirect_vreg.gather [hbm4b:s6+s2], $0x80, v4, vm0, $0xb8;
	[tilespmem:$0x18100] =	vst v63  }
0x9c: {  	s13 =	simm.s32 $0x13900  }
0x9d: {  	[tilespmem:s13], [sflag:$0x1] =	stream.indirect_vreg.gather [hbm4b:s3+s2], $0x80, v3, vm0, $0xb8;
	[tilespmem:$0x18100] =	vst v63  }
0x9e: {  	s13 =	simm.s32 $0x14100  }
0x9f: {  	[tilespmem:s13], [sflag:$0x1] =	stream.indirect_vreg.gather [hbm4b:s5+s2], $0x80, v3, vm0, $0xb8;
	[tilespmem:$0x18100] =	vst v63  }
0xa0: {  	s13 =	simm.s32 $0x14900  }
0xa1: {  	[tilespmem:s13], [sflag:$0x1] =	stream.indirect_vreg.gather [hbm4b:s6+s2], $0x80, v3, vm0, $0xb8;
	[tilespmem:$0x18100] =	vst v63  }
0xa2: {  	v3 =	vld [tilespmem:$0x70];
	_ =	sdelay $0x4  }
0xa3: {  	v55 =	vshrl.u32 v3, $0x3  }
0xa4: {  	v4 =	vmul.u32 $0x30, v55  }
0xa5: {  	v3 =	vand.u32 $0x7, v3  }
0xa6: {  	v3 =	vor.u32 v3, v4  }
0xa7: {  	v4 =	vperm.xlane v3, v0;
	_ =	sdelay $0x1  }
0xa8: {  	v4 =	vadd.s32 v1, v4;
	_ =	sdelay $0x3  }
0xa9: {  	s13 =	simm.s32 $0x15100;
	v3 =	vperm.xlane v3, v2  }
0xaa: {  	[tilespmem:s13], [sflag:$0x1] =	stream.indirect_vreg.gather [hbm4b:s3+s2], $0x80, v4, vm0, $0xb8;
	[tilespmem:$0x18100] =	vst v63  }
0xab: {  	v3 =	vadd.s32 v1, v3;
	s13 =	simm.s32 $0x15900  }
0xac: {  	[tilespmem:s13], [sflag:$0x1] =	stream.indirect_vreg.gather [hbm4b:s5+s2], $0x80, v4, vm0, $0xb8;
	[tilespmem:$0x18100] =	vst v63  }
0xad: {  	s13 =	simm.s32 $0x16100  }
0xae: {  	[tilespmem:s13], [sflag:$0x1] =	stream.indirect_vreg.gather [hbm4b:s6+s2], $0x80, v4, vm0, $0xb8;
	[tilespmem:$0x18100] =	vst v63  }
0xaf: {  	s13 =	simm.s32 $0x16900  }
0xb0: {  	[tilespmem:s13], [sflag:$0x1] =	stream.indirect_vreg.gather [hbm4b:s3+s2], $0x80, v3, vm0, $0xb8;
	[tilespmem:$0x18100] =	vst v63  }
0xb1: {  	s13 =	simm.s32 $0x17100  }
0xb2: {  	[tilespmem:s13], [sflag:$0x1] =	stream.indirect_vreg.gather [hbm4b:s5+s2], $0x80, v3, vm0, $0xb8;
	[tilespmem:$0x18100] =	vst v63  }
0xb3: {  	s13 =	simm.s32 $0x17900  }
0xb4: {  	[tilespmem:s13], [sflag:$0x1] =	stream.indirect_vreg.gather [hbm4b:s6+s2], $0x80, v3, vm0, $0xb8;
	[tilespmem:$0x18100] =	vst v63  }
0xb5: {  	_ =	swait.ge [sflag:s10], $0xC000  }
0xb6: {  	[sflag:s10] =	ssyncset.done $0x0  }
0xb7: {  	s13 =	rddreg [dreg:$0x3];
	[sflag:s10] =	ssyncadd.s32 $0xFFFF4000  }
0xb8: {  	[hbm4b:s13+s2] =	stream.linear.scatter [tilespmem:s0], [sflag:$0x2], $0xC000, $0x38;
	[tilespmem:$0x18100] =	vst v63  }
0xb9: {  	_ =	swait.ge [sflag:s12], $0xC000  }
0xba: {  	[sflag:s12] =	ssyncset.done $0x0  }
0xbb: {  	[sflag:s12] =	ssyncadd.s32 $0xFFFF4000  }
0xbc: {  	v3 =	vld [tilespmem:$0x80];
	_ =	sdelay $0x4  }
0xbd: {  	v56 =	vshrl.u32 v3, $0x3  }
0xbe: {  	v4 =	vmul.u32 $0x30, v56  }
0xbf: {  	v3 =	vand.u32 $0x7, v3  }
0xc0: {  	v3 =	vor.u32 v3, v4  }
0xc1: {  	v4 =	vperm.xlane v3, v0;
	_ =	sdelay $0x1  }
0xc2: {  	v4 =	vadd.s32 v1, v4;
	_ =	sdelay $0x3  }
0xc3: {  	v3 =	vperm.xlane v3, v2  }
0xc4: {  	[tilespmem:s4], [sflag:$0x1] =	stream.indirect_vreg.gather [hbm4b:s3+s2], $0x80, v4, vm0, $0xb8;
	[tilespmem:$0x18100] =	vst v63  }
0xc5: {  	v3 =	vadd.s32 v1, v3  }
0xc6: {  	[tilespmem:s14], [sflag:$0x1] =	stream.indirect_vreg.gather [hbm4b:s5+s2], $0x80, v4, vm0, $0xb8;
	[tilespmem:$0x18100] =	vst v63  }
0xc7: {  	_ = 	snop  }
0xc8: {  	[tilespmem:s15], [sflag:$0x1] =	stream.indirect_vreg.gather [hbm4b:s6+s2], $0x80, v4, vm0, $0xb8;
	[tilespmem:$0x18100] =	vst v63  }
0xc9: {  	_ = 	snop  }
0xca: {  	[tilespmem:s16], [sflag:$0x1] =	stream.indirect_vreg.gather [hbm4b:s3+s2], $0x80, v3, vm0, $0xb8;
	[tilespmem:$0x18100] =	vst v63  }
0xcb: {  	_ = 	snop  }
0xcc: {  	[tilespmem:s17], [sflag:$0x1] =	stream.indirect_vreg.gather [hbm4b:s5+s2], $0x80, v3, vm0, $0xb8;
	[tilespmem:$0x18100] =	vst v63  }
0xcd: {  	_ = 	snop  }
0xce: {  	[tilespmem:s18], [sflag:$0x1] =	stream.indirect_vreg.gather [hbm4b:s6+s2], $0x80, v3, vm0, $0xb8;
	[tilespmem:$0x18100] =	vst v63  }
0xcf: {  	v3 =	vld [tilespmem:$0x90];
	_ =	sdelay $0x4  }
0xd0: {  	v57 =	vshrl.u32 v3, $0x3  }
0xd1: {  	v4 =	vmul.u32 $0x30, v57  }
0xd2: {  	v3 =	vand.u32 $0x7, v3  }
0xd3: {  	v3 =	vor.u32 v3, v4  }
0xd4: {  	v4 =	vperm.xlane v3, v0;
	_ =	sdelay $0x1  }
0xd5: {  	v4 =	vadd.s32 v1, v4;
	_ =	sdelay $0x3  }
0xd6: {  	v3 =	vperm.xlane v3, v2  }
0xd7: {  	[tilespmem:s19], [sflag:$0x1] =	stream.indirect_vreg.gather [hbm4b:s3+s2], $0x80, v4, vm0, $0xb8;
	[tilespmem:$0x18100] =	vst v63  }
0xd8: {  	v3 =	vadd.s32 v1, v3  }
0xd9: {  	[tilespmem:s20], [sflag:$0x1] =	stream.indirect_vreg.gather [hbm4b:s5+s2], $0x80, v4, vm0, $0xb8;
	[tilespmem:$0x18100] =	vst v63  }
0xda: {  	_ = 	snop  }
0xdb: {  	[tilespmem:s21], [sflag:$0x1] =	stream.indirect_vreg.gather [hbm4b:s6+s2], $0x80, v4, vm0, $0xb8;
	[tilespmem:$0x18100] =	vst v63  }
0xdc: {  	_ = 	snop  }
0xdd: {  	[tilespmem:s22], [sflag:$0x1] =	stream.indirect_vreg.gather [hbm4b:s3+s2], $0x80, v3, vm0, $0xb8;
	[tilespmem:$0x18100] =	vst v63  }
0xde: {  	_ = 	snop  }
0xdf: {  	[tilespmem:s23], [sflag:$0x1] =	stream.indirect_vreg.gather [hbm4b:s5+s2], $0x80, v3, vm0, $0xb8;
	[tilespmem:$0x18100] =	vst v63  }
0xe0: {  	_ = 	snop  }
0xe1: {  	[tilespmem:s24], [sflag:$0x1] =	stream.indirect_vreg.gather [hbm4b:s6+s2], $0x80, v3, vm0, $0xb8;
	[tilespmem:$0x18100] =	vst v63  }
0xe2: {  	v3 =	vld [tilespmem:$0xA0];
	_ =	sdelay $0x4  }
0xe3: {  	v58 =	vshrl.u32 v3, $0x3  }
0xe4: {  	v4 =	vmul.u32 $0x30, v58  }
0xe5: {  	v3 =	vand.u32 $0x7, v3  }
0xe6: {  	v3 =	vor.u32 v3, v4  }
0xe7: {  	v4 =	vperm.xlane v3, v0;
	_ =	sdelay $0x1  }
0xe8: {  	v4 =	vadd.s32 v1, v4;
	_ =	sdelay $0x3  }
0xe9: {  	v3 =	vperm.xlane v3, v2  }
0xea: {  	[tilespmem:s25], [sflag:$0x1] =	stream.indirect_vreg.gather [hbm4b:s3+s2], $0x80, v4, vm0, $0xb8;
	[tilespmem:$0x18100] =	vst v63  }
0xeb: {  	v3 =	vadd.s32 v1, v3  }
0xec: {  	[tilespmem:s26], [sflag:$0x1] =	stream.indirect_vreg.gather [hbm4b:s5+s2], $0x80, v4, vm0, $0xb8;
	[tilespmem:$0x18100] =	vst v63  }
0xed: {  	_ = 	snop  }
0xee: {  	[tilespmem:s28], [sflag:$0x1] =	stream.indirect_vreg.gather [hbm4b:s6+s2], $0x80, v4, vm0, $0xb8;
	[tilespmem:$0x18100] =	vst v63  }
0xef: {  	_ = 	snop  }
0xf0: {  	[tilespmem:s29], [sflag:$0x1] =	stream.indirect_vreg.gather [hbm4b:s3+s2], $0x80, v3, vm0, $0xb8;
	[tilespmem:$0x18100] =	vst v63  }
0xf1: {  	_ = 	snop  }
0xf2: {  	[tilespmem:s30], [sflag:$0x1] =	stream.indirect_vreg.gather [hbm4b:s5+s2], $0x80, v3, vm0, $0xb8;
	[tilespmem:$0x18100] =	vst v63  }
0xf3: {  	_ = 	snop  }
0xf4: {  	[tilespmem:s31], [sflag:$0x1] =	stream.indirect_vreg.gather [hbm4b:s6+s2], $0x80, v3, vm0, $0xb8;
	[tilespmem:$0x18100] =	vst v63  }
0xf5: {  	v3 =	vld [tilespmem:$0xB0];
	_ =	sdelay $0x4  }
0xf6: {  	v59 =	vshrl.u32 v3, $0x3  }
0xf7: {  	v4 =	vmul.u32 $0x30, v59  }
0xf8: {  	v3 =	vand.u32 $0x7, v3  }
0xf9: {  	v3 =	vor.u32 v3, v4  }
0xfa: {  	v4 =	vperm.xlane v3, v0;
	_ =	sdelay $0x1  }
0xfb: {  	v4 =	vadd.s32 v1, v4;
	_ =	sdelay $0x3  }
0xfc: {  	s13 =	simm.s32 $0x9100;
	v3 =	vperm.xlane v3, v2  }
0xfd: {  	[tilespmem:s13], [sflag:$0x1] =	stream.indirect_vreg.gather [hbm4b:s3+s2], $0x80, v4, vm0, $0xb8;
	[tilespmem:$0x18100] =	vst v63  }
0xfe: {  	v3 =	vadd.s32 v1, v3  }
0xff: {  	[tilespmem:s1], [sflag:$0x1] =	stream.indirect_vreg.gather [hbm4b:s5+s2], $0x80, v4, vm0, $0xb8;
	[tilespmem:$0x18100] =	vst v63  }
0x100: {  	_ = 	snop  }
0x101: {  	[tilespmem:s11], [sflag:$0x1] =	stream.indirect_vreg.gather [hbm4b:s6+s2], $0x80, v4, vm0, $0xb8;
	[tilespmem:$0x18100] =	vst v63  }
0x102: {  	_ = 	snop  }
0x103: {  	[tilespmem:s8], [sflag:$0x1] =	stream.indirect_vreg.gather [hbm4b:s3+s2], $0x80, v3, vm0, $0xb8;
	[tilespmem:$0x18100] =	vst v63  }
0x104: {  	_ = 	snop  }
0x105: {  	[tilespmem:s9], [sflag:$0x1] =	stream.indirect_vreg.gather [hbm4b:s5+s2], $0x80, v3, vm0, $0xb8;
	[tilespmem:$0x18100] =	vst v63  }
0x106: {  	s13 =	simm.s32 $0xB900  }
0x107: {  	[tilespmem:s13], [sflag:$0x1] =	stream.indirect_vreg.gather [hbm4b:s6+s2], $0x80, v3, vm0, $0xb8;
	[tilespmem:$0x18100] =	vst v63  }
0x108: {  	_ =	swait.ge [sflag:s10], $0xC000  }
0x109: {  	[sflag:s10] =	ssyncset.done $0x0  }
0x10a: {  	s1 =	rddreg [dreg:$0x4];
	[sflag:s10] =	ssyncadd.s32 $0xFFFF4000  }
0x10b: {  	[hbm4b:s1+s2] =	stream.linear.scatter [tilespmem:s4], [sflag:$0x2], $0xC000, $0x38;
	[tilespmem:$0x18100] =	vst v63  }
0x10c: {  	_ =	swait.ge [sflag:s12], $0xC000  }
0x10d: {  	[sflag:s12] =	ssyncset.done $0x0  }
0x10e: {  	[sflag:s12] =	ssyncadd.s32 $0xFFFF4000  }
0x10f: {  	v3 =	vld [tilespmem:$0xC0];
	_ =	sdelay $0x4  }
0x110: {  	v60 =	vshrl.u32 v3, $0x3  }
0x111: {  	v4 =	vmul.u32 $0x30, v60  }
0x112: {  	v3 =	vand.u32 $0x7, v3  }
0x113: {  	v3 =	vor.u32 v3, v4  }
0x114: {  	v4 =	vperm.xlane v3, v0;
	_ =	sdelay $0x1  }
0x115: {  	v4 =	vadd.s32 v1, v4;
	_ =	sdelay $0x3  }
0x116: {  	v3 =	vperm.xlane v3, v2  }
0x117: {  	[tilespmem:s0], [sflag:$0x1] =	stream.indirect_vreg.gather [hbm4b:s3+s2], $0x80, v4, vm0, $0xb8;
	[tilespmem:$0x18100] =	vst v63  }
0x118: {  	s13 =	simm.s32 $0xC900;
	v3 =	vadd.s32 v1, v3  }
0x119: {  	[tilespmem:s13], [sflag:$0x1] =	stream.indirect_vreg.gather [hbm4b:s5+s2], $0x80, v4, vm0, $0xb8;
	[tilespmem:$0x18100] =	vst v63  }
0x11a: {  	s13 =	simm.s32 $0xD100  }
0x11b: {  	[tilespmem:s13], [sflag:$0x1] =	stream.indirect_vreg.gather [hbm4b:s6+s2], $0x80, v4, vm0, $0xb8;
	[tilespmem:$0x18100] =	vst v63  }
0x11c: {  	s13 =	simm.s32 $0xD900  }
0x11d: {  	[tilespmem:s13], [sflag:$0x1] =	stream.indirect_vreg.gather [hbm4b:s3+s2], $0x80, v3, vm0, $0xb8;
	[tilespmem:$0x18100] =	vst v63  }
0x11e: {  	s13 =	simm.s32 $0xE100  }
0x11f: {  	[tilespmem:s13], [sflag:$0x1] =	stream.indirect_vreg.gather [hbm4b:s5+s2], $0x80, v3, vm0, $0xb8;
	[tilespmem:$0x18100] =	vst v63  }
0x120: {  	s13 =	simm.s32 $0xE900  }
0x121: {  	[tilespmem:s13], [sflag:$0x1] =	stream.indirect_vreg.gather [hbm4b:s6+s2], $0x80, v3, vm0, $0xb8;
	[tilespmem:$0x18100] =	vst v63  }
0x122: {  	v3 =	vld [tilespmem:$0xD0];
	_ =	sdelay $0x4  }
0x123: {  	v61 =	vshrl.u32 v3, $0x3  }
0x124: {  	v4 =	vmul.u32 $0x30, v61  }
0x125: {  	v3 =	vand.u32 $0x7, v3  }
0x126: {  	v3 =	vor.u32 v3, v4  }
0x127: {  	v4 =	vperm.xlane v3, v0;
	_ =	sdelay $0x1  }
0x128: {  	v4 =	vadd.s32 v1, v4;
	_ =	sdelay $0x3  }
0x129: {  	s13 =	simm.s32 $0xF100;
	v3 =	vperm.xlane v3, v2  }
0x12a: {  	[tilespmem:s13], [sflag:$0x1] =	stream.indirect_vreg.gather [hbm4b:s3+s2], $0x80, v4, vm0, $0xb8;
	[tilespmem:$0x18100] =	vst v63  }
0x12b: {  	v3 =	vadd.s32 v1, v3;
	s13 =	simm.s32 $0xF900  }
0x12c: {  	[tilespmem:s13], [sflag:$0x1] =	stream.indirect_vreg.gather [hbm4b:s5+s2], $0x80, v4, vm0, $0xb8;
	[tilespmem:$0x18100] =	vst v63  }
0x12d: {  	s13 =	simm.s32 $0x10100  }
0x12e: {  	[tilespmem:s13], [sflag:$0x1] =	stream.indirect_vreg.gather [hbm4b:s6+s2], $0x80, v4, vm0, $0xb8;
	[tilespmem:$0x18100] =	vst v63  }
0x12f: {  	s13 =	simm.s32 $0x10900  }
0x130: {  	[tilespmem:s13], [sflag:$0x1] =	stream.indirect_vreg.gather [hbm4b:s3+s2], $0x80, v3, vm0, $0xb8;
	[tilespmem:$0x18100] =	vst v63  }
0x131: {  	s13 =	simm.s32 $0x11100  }
0x132: {  	[tilespmem:s13], [sflag:$0x1] =	stream.indirect_vreg.gather [hbm4b:s5+s2], $0x80, v3, vm0, $0xb8;
	[tilespmem:$0x18100] =	vst v63  }
0x133: {  	s13 =	simm.s32 $0x11900  }
0x134: {  	[tilespmem:s13], [sflag:$0x1] =	stream.indirect_vreg.gather [hbm4b:s6+s2], $0x80, v3, vm0, $0xb8;
	[tilespmem:$0x18100] =	vst v63  }
0x135: {  	v3 =	vld [tilespmem:$0xE0];
	_ =	sdelay $0x4  }
0x136: {  	v62 =	vshrl.u32 v3, $0x3  }
0x137: {  	v4 =	vmul.u32 $0x30, v62  }
0x138: {  	v3 =	vand.u32 $0x7, v3  }
0x139: {  	v3 =	vor.u32 v3, v4  }
0x13a: {  	v4 =	vperm.xlane v3, v0;
	_ =	sdelay $0x1  }
0x13b: {  	v4 =	vadd.s32 v1, v4;
	_ =	sdelay $0x3  }
0x13c: {  	s13 =	simm.s32 $0x12100;
	v3 =	vperm.xlane v3, v2  }
0x13d: {  	[tilespmem:s13], [sflag:$0x1] =	stream.indirect_vreg.gather [hbm4b:s3+s2], $0x80, v4, vm0, $0xb8;
	[tilespmem:$0x18100] =	vst v63  }
0x13e: {  	v3 =	vadd.s32 v1, v3;
	s13 =	simm.s32 $0x12900  }
0x13f: {  	[tilespmem:s13], [sflag:$0x1] =	stream.indirect_vreg.gather [hbm4b:s5+s2], $0x80, v4, vm0, $0xb8;
	[tilespmem:$0x18100] =	vst v63  }
0x140: {  	s13 =	simm.s32 $0x13100  }
0x141: {  	[tilespmem:s13], [sflag:$0x1] =	stream.indirect_vreg.gather [hbm4b:s6+s2], $0x80, v4, vm0, $0xb8;
	[tilespmem:$0x18100] =	vst v63  }
0x142: {  	s13 =	simm.s32 $0x13900  }
0x143: {  	[tilespmem:s13], [sflag:$0x1] =	stream.indirect_vreg.gather [hbm4b:s3+s2], $0x80, v3, vm0, $0xb8;
	[tilespmem:$0x18100] =	vst v63  }
0x144: {  	s13 =	simm.s32 $0x14100  }
0x145: {  	[tilespmem:s13], [sflag:$0x1] =	stream.indirect_vreg.gather [hbm4b:s5+s2], $0x80, v3, vm0, $0xb8;
	[tilespmem:$0x18100] =	vst v63  }
0x146: {  	s13 =	simm.s32 $0x14900  }
0x147: {  	[tilespmem:s13], [sflag:$0x1] =	stream.indirect_vreg.gather [hbm4b:s6+s2], $0x80, v3, vm0, $0xb8;
	[tilespmem:$0x18100] =	vst v63  }
0x148: {  	v3 =	vld [tilespmem:$0xF0];
	_ =	sdelay $0x4  }
0x149: {  	v63 =	vshrl.u32 v3, $0x3  }
0x14a: {  	v4 =	vmul.u32 $0x30, v63  }
0x14b: {  	v3 =	vand.u32 $0x7, v3  }
0x14c: {  	v3 =	vor.u32 v3, v4  }
0x14d: {  	v4 =	vperm.xlane v3, v0;
	_ =	sdelay $0x1  }
0x14e: {  	v4 =	vadd.s32 v1, v4;
	_ =	sdelay $0x3  }
0x14f: {  	s13 =	simm.s32 $0x15100;
	v3 =	vperm.xlane v3, v2  }
0x150: {  	[tilespmem:s13], [sflag:$0x1] =	stream.indirect_vreg.gather [hbm4b:s3+s2], $0x80, v4, vm0, $0xb8;
	[tilespmem:$0x18100] =	vst v63  }
0x151: {  	v3 =	vadd.s32 v1, v3;
	s13 =	simm.s32 $0x15900  }
0x152: {  	[tilespmem:s13], [sflag:$0x1] =	stream.indirect_vreg.gather [hbm4b:s5+s2], $0x80, v4, vm0, $0xb8;
	[tilespmem:$0x18100] =	vst v63  }
0x153: {  	s13 =	simm.s32 $0x16100  }
0x154: {  	[tilespmem:s13], [sflag:$0x1] =	stream.indirect_vreg.gather [hbm4b:s6+s2], $0x80, v4, vm0, $0xb8;
	[tilespmem:$0x18100] =	vst v63  }
0x155: {  	s13 =	simm.s32 $0x16900  }
0x156: {  	[tilespmem:s13], [sflag:$0x1] =	stream.indirect_vreg.gather [hbm4b:s3+s2], $0x80, v3, vm0, $0xb8;
	[tilespmem:$0x18100] =	vst v63  }
0x157: {  	s13 =	simm.s32 $0x17100  }
0x158: {  	[tilespmem:s13], [sflag:$0x1] =	stream.indirect_vreg.gather [hbm4b:s5+s2], $0x80, v3, vm0, $0xb8;
	[tilespmem:$0x18100] =	vst v63  }
0x159: {  	s13 =	simm.s32 $0x17900  }
0x15a: {  	[tilespmem:s13], [sflag:$0x1] =	stream.indirect_vreg.gather [hbm4b:s6+s2], $0x80, v3, vm0, $0xb8;
	[tilespmem:$0x18100] =	vst v63  }
0x15b: {  	_ =	swait.ge [sflag:s10], $0xC000  }
0x15c: {  	[sflag:s10] =	ssyncset.done $0x0  }
0x15d: {  	s1 =	rddreg [dreg:$0x5];
	[sflag:s10] =	ssyncadd.s32 $0xFFFF4000  }
0x15e: {  	[hbm4b:s1+s2] =	stream.linear.scatter [tilespmem:s0], [sflag:$0x2], $0xC000, $0x38;
	[tilespmem:$0x18100] =	vst v63  }
0x15f: {  	p0 =	sne.s32 s7, $0x1;
	_ =	swait.ge [sflag:s12], $0xC000  }
.Ltmp0:
0x160: {  	[sflag:s12] =	ssyncset.done $0x0;
	(pc) =	sbr.rel @p0 .LBB2_1-.Ltmp0, $4  }
0x161: {  	[sflag:s12] =	ssyncadd.s32 $0xFFFF4000  }
0x162: {  	_ =	swait.ge [sflag:s12], $0xC000  }
0x163: {  	[sflag:s12] =	ssyncset.done $0x0  }
0x164: {  	s7 =	sadd.s32 $0xFFFFFFFF, s7;
	[sflag:s12] =	ssyncadd.s32 $0xFFFF4000  }
0x165: {  	_ =	sfence.sel $0x180000  }
0x166: {  	[bflag:$0x0] =	sbarrier.arrive $0xFFFF  }
0x167: {  	_ =	strace $0x9000004A  }
0x168: {  	s0 =	stileid.u32;
	[bflag:$0x2] =	sbarrier.arrive $0xFFFF  }
0x169: {  	p0 =	sne.s32 s0, $0x0;
	s0 =	rddreg [dreg:$0x1]  }
0x16a: {  	s0 =	sadd.s32 @!p0 $0x100000, s0  }
0x16b: {  	[sflag:s0] =	ssyncadd.tile.s32 @!p0 $0x1;
	_ =	shalt  }
.Lfunc_end2:
_tile_overlayer_lowered:
.L_overlay_start_2:
0x16c: {  	(tag) =	ssettag $0x2  }
0x16d: {  	s0 =	rddreg [dreg:$0x0];
	s2 =	stileid.u32  }
0x16e: {  	s1 =	rddreg [dreg:$0x1];
	p0 =	sne.s32 s2, $0x0  }
0x16f: {  	s3 =	rddreg [dreg:$0x2];
	[bflag:$0x3] =	sbarrier.arrive $0xFFFF;
	s2 =	simm.s32 @!p0 $0x1C03  }
0x170: {  	[timem:s3], [sflag:s2] =	dma.local @!p0 [hbm:s0], s1  }
0x171: {  	s0 =	simm.s32 @!p0 $0x3  }
0x172: {  	_ =	swait.ge @!p0 [sflag:s0], s1  }
0x173: {  	s1 =	ssub.s32 @!p0 $0x0, s1;
	[sflag:s0] =	ssyncset.done @!p0 $0x0  }
0x174: {  	[sflag:s0] =	ssyncadd.s32 @!p0 s1  }
0x175: {  	[bflag:$0x3] =	sbarrier.arrive $0xFFFF  }
0x176: {  	_ =	shalt  }

// kernel: kernel.7.cloned.1.call-start
scs
__scs_entry_jumppad:
0x0: {  	(pc) =	sbr.rel $0x88, $3  }
0x1: {  	(tag) =	ssettag $0x0;
	lr =	simm.s32 $0x1  }
0x2: {  	[smem:$0x3F98] =	sst lr;
	_ =	strace $0xD0000000  }
0x3: {  	_ = 	snop  }
0x4: {  	_ = 	snop  }
0x5: {  	_ = 	snop  }
0x6: {  	_ = 	snop  }
0x7: {  	_ = 	snop  }
__scs_overlays_trampoline_lowered:
0x8: {  	[smem:$0x3FA7] =	sst s0  }
0x9: {  	[smem:$0x3FA8] =	sst s1  }
0xa: {  	[smem:$0x3FA9] =	sst s2  }
0xb: {  	[smem:$0x3FAA] =	sst s3  }
0xc: {  	[smem:$0x3FAB] =	sst s4  }
0xd: {  	[smem:$0x3FAC] =	sst s5  }
0xe: {  	[smem:$0x3FAD] =	sst s6  }
0xf: {  	[smem:$0x3FAE] =	sst s7  }
0x10: {  	[smem:$0x3FAF] =	sst s8  }
0x11: {  	[smem:$0x3FB0] =	sst s9;
	s0 =	simm.s32 @!p0 $0x0  }
0x12: {  	s1 =	sld [smem:$0x3F96];
	s0 =	simm.s32 @p0 $0x1  }
0x13: {  	[smem:$0x3FB1] =	sst s0;
	s0 =	simm.s32 @!p1 $0x0  }
0x14: {  	s2 =	sld [smem:$0x3F95];
	s0 =	simm.s32 @p1 $0x1  }
0x15: {  	[smem:$0x3FB2] =	sst s0;
	s0 =	simm.s32 @!p2 $0x0  }
0x16: {  	s3 =	sld [smem:$0x3FDB];
	s0 =	simm.s32 @p2 $0x1  }
0x17: {  	s4 =	simm.s32 $0x1BF5;
	[smem:$0x3FB4] =	sst s0  }
0x18: {  	s0 =	sld [smem:$0x3F97];
	_ =	swait.ge [sflag:s4], $0x0  }
0x19: {  	s7 =	sld [smem:$0x3F98]  }
0x1a: {  	s8 =	sadd.s32 $0xFFFFE003, lr  }
0x1b: {  	s9 =	sadd.s32 $0xFFFFFEF7, lr;
	s5 =	simm.s32 $0xFFFFFFFF;
	p2 =	slt.u32 s8, $0xFFFFF086  }
0x1c: {  	p1 =	slt.u32 s9, $0xF7A;
	s5 =	simm.s32 @!p2 $0x0  }
0x1d: {  	s5 =	simm.s32 @p1 $0x1;
	p0 =	seq.s32 s7, s2  }
0x1e: {  	s7 =	smul.u32 @!p0 $0xF7A, s2;
	p2 =	seq.s32 @!p0 s5, $0x0  }
0x1f: {  	s9 =	smul.u32 $0xF7A, s1;
	s8 =	simm.s32 @!p0 $0x1BF5;
	p2 =	por !p2, p0  }
0x20: {  	[sflag:s8] =	ssyncset.s32 @!p0 $0xFFFFF086;
	s6 =	sadd.s32 @!p0 s3, s7;
	s7 =	simm.s32 @!p0 $0x108  }
0x21: {  	s3 =	sadd.s32 s3, s9;
	s6 =	sadd.s32 @!p0 $0x88, s6;
	s7 =	simm.s32 @p2 $0x1082  }
0x22: {  	[simem:s7], [sflag:s8] =	dma.local @!p0 [hbm:s6], $0xF7A  }
0x23: {  	s9 =	sor.u32 $0xD0000000, s2;
	s6 =	simm.s32 $0x108;
	_ =	swait.ge @!p0 [sflag:s8], $0x0  }
0x24: {  	s3 =	sadd.s32 $0x88, s3;
	s6 =	simm.s32 @!p1 $0x1082;
	[sflag:s4] =	ssyncset.s32 $0xFFFFF086  }
0x25: {  	[simem:s6], [sflag:s4] =	dma.local [hbm:s3], $0xF7A  }
0x26: {  	[smem:$0x3F98] =	sst s1;
	(tag) =	ssettag s2;
	_ =	strace s9  }
0x27: {  	s1 =	sld [smem:$0x3FA8]  }
0x28: {  	s2 =	sld [smem:$0x3FA9]  }
0x29: {  	s4 =	sld [smem:$0x3FAB]  }
0x2a: {  	p0 =	seq.s32 s5, $0x0;
	s5 =	sld [smem:$0x3FAC]  }
0x2b: {  	s6 =	sld [smem:$0x3FAD]  }
0x2c: {  	s7 =	sld [smem:$0x3FAE]  }
0x2d: {  	s3 =	simm.s32 $0x108;
	s8 =	sld [smem:$0x3FAF]  }
0x2e: {  	s3 =	simm.s32 @!p0 $0x1082;
	s9 =	sld [smem:$0x3FB0]  }
0x2f: {  	lr =	sadd.s32 s0, s3;
	s0 =	sld [smem:$0x3FA7]  }
0x30: {  	s3 =	sld [smem:$0x3FAA]  }
0x31: {  	[smem:$0x3FB3] =	sst s10  }
0x32: {  	s10 =	sld [smem:$0x3FB1];
	_ =	sdelay $0x3  }
0x33: {  	p0 =	seq.s32 s10, $0x1;
	s10 =	sld [smem:$0x3FB3];
	_ =	sdelay $0x3  }
0x34: {  	[smem:$0x3FB3] =	sst s10  }
0x35: {  	s10 =	sld [smem:$0x3FB2];
	_ =	sdelay $0x3  }
0x36: {  	p1 =	seq.s32 s10, $0x1;
	s10 =	sld [smem:$0x3FB3];
	_ =	sdelay $0x3  }
0x37: {  	[smem:$0x3FB3] =	sst s10  }
0x38: {  	s10 =	sld [smem:$0x3FB4]  }
0x39: {  	_ = 	snop;
	(pc) =	sbr.ind lr, $3  }
0x3a: {  	_ = 	snop  }
0x3b: {  	_ = 	snop  }
0x3c: {  	p2 =	seq.s32 s10, $0x1;
	s10 =	sld [smem:$0x3FB3]  }
0x3d: {  	_ =	shalt  }
0x3e: {  	_ =	shalt  }
0x3f: {  	_ =	shalt  }
0x40: {  	_ =	shalt  }
0x41: {  	_ =	shalt  }
0x42: {  	_ =	shalt  }
0x43: {  	_ =	shalt  }
0x44: {  	_ =	shalt  }
0x45: {  	_ =	shalt  }
0x46: {  	_ =	shalt  }
0x47: {  	_ =	shalt  }
0x48: {  	_ =	shalt  }
0x49: {  	_ =	shalt  }
0x4a: {  	_ =	shalt  }
0x4b: {  	_ =	shalt  }
0x4c: {  	_ =	shalt  }
0x4d: {  	_ =	shalt  }
0x4e: {  	_ =	shalt  }
0x4f: {  	_ =	shalt  }
0x50: {  	_ =	shalt  }
0x51: {  	_ =	shalt  }
0x52: {  	_ =	shalt  }
0x53: {  	_ =	shalt  }
0x54: {  	_ =	shalt  }
0x55: {  	_ =	shalt  }
0x56: {  	_ =	shalt  }
0x57: {  	_ =	shalt  }
0x58: {  	_ =	shalt  }
0x59: {  	_ =	shalt  }
0x5a: {  	_ =	shalt  }
0x5b: {  	_ =	shalt  }
0x5c: {  	_ =	shalt  }
0x5d: {  	_ =	shalt  }
0x5e: {  	_ =	shalt  }
0x5f: {  	_ =	shalt  }
0x60: {  	_ =	shalt  }
0x61: {  	_ =	shalt  }
0x62: {  	_ =	shalt  }
0x63: {  	_ =	shalt  }
0x64: {  	_ =	shalt  }
0x65: {  	_ =	shalt  }
0x66: {  	_ =	shalt  }
0x67: {  	_ =	shalt  }
0x68: {  	_ =	shalt  }
0x69: {  	_ =	shalt  }
0x6a: {  	_ =	shalt  }
0x6b: {  	_ =	shalt  }
0x6c: {  	_ =	shalt  }
0x6d: {  	_ =	shalt  }
0x6e: {  	_ =	shalt  }
0x6f: {  	_ =	shalt  }
0x70: {  	_ =	shalt  }
0x71: {  	_ =	shalt  }
0x72: {  	_ =	shalt  }
0x73: {  	_ =	shalt  }
0x74: {  	_ =	shalt  }
0x75: {  	_ =	shalt  }
0x76: {  	_ =	shalt  }
0x77: {  	_ =	shalt  }
0x78: {  	_ =	shalt  }
0x79: {  	_ =	shalt  }
0x7a: {  	_ =	shalt  }
0x7b: {  	_ =	shalt  }
0x7c: {  	_ =	shalt  }
0x7d: {  	_ =	shalt  }
0x7e: {  	_ =	shalt  }
0x7f: {  	_ =	shalt  }
0x80: {  	_ =	shalt  }
0x81: {  	_ =	shalt  }
0x82: {  	_ =	shalt  }
0x83: {  	_ =	shalt  }
0x84: {  	_ =	shalt  }
0x85: {  	_ =	shalt  }
0x86: {  	_ =	shalt  }
0x87: {  	_ =	shalt  }
.Lfunc_end0:
.L_simem_size_0:
called_computation_lowered:
.L_overlay_start_0:
0x88: {  	s2 =	sld [smem:$0x3FD9]  }
0x89: {  	s3 =	sld [smem:$0x3FFE];
	_ =	sdelay $0x1  }
0x8a: {  	s1 =	srdreg.scid  }
0x8b: {  	s0 =	sand.u32 $0x1, s1  }
0x8c: {  	s17 =	sshll.u32 s0, $0xA;
	s2 =	sadd.s32 s3, s2  }
0x8d: {  	s2 =	sadd.s32 s2, s17  }
0x8e: {  	[smem:$0x3FBF] =	sst s2  }
0x8f: {  	_ = 	snop  }
0x90: {  	s2 =	sld [smem:$0x3FC9];
	(tm) =	ssettm $0x1  }
0x91: {  	s18 =	sld [smem:$0x3FFB];
	_ =	sdelay $0x3  }
0x92: {  	_ =	strace s18  }
0x93: {  	s3 =	sld [smem:$0x3FFC];
	_ =	sdelay $0x3  }
0x94: {  	_ =	strace s3  }
0x95: {  	s3 =	sld [smem:$0x3FFD];
	_ =	sdelay $0x3  }
0x96: {  	_ =	strace s3  }
0x97: {  	_ =	strace $0x8FFFFFFF  }
0x98: {  	s19 =	sld [smem:$0x3FDB];
	_ =	sdelay $0x1  }
0x99: {  	s4 =	simm.s32 $_scs_section_size  }
0x9a: {  	s5 =	simm.s32 $_size__tile_overlayer_lowered;
	s6 =	simm.s32 $_tile_overlayer_lowered  }
0x9b: {  	s22 =	simm.s32 $0x1BFF;
	s21 =	sshll.u32 s6, $0x1;
	s3 =	sadd.s32 s4, s19  }
0x9c: {  	s7 =	simm.s32 $0x0;
	s20 =	sshll.u32 s5, $0x1;
	s5 =	sadd.s32 s21, s3  }
0x9d: {  	[timem:s7], [sflag:s22] =	dma.local [hbm:s5], s20  }
0x9e: {  	_ =	swait.ge [sflag:s22], s20  }
0x9f: {  	s4 =	ssub.s32 $0x0, s20;
	[sflag:s22] =	ssyncset.done $0x0  }
0xa0: {  	[sflag:s22] =	ssyncadd.s32 s4;
	_ =	sdelay $0x1  }
0xa1: {  	s23 =	simm.s32 $0x1B8B  }
0xa2: {  	_ =	swait.ge [sflag:s23], $0x1  }
0xa3: {  	[sflag:s23] =	ssyncset.done $0x0  }
0xa4: {  	s25 =	simm.s32 $0x1B8E;
	s24 =	sld [smem:$0x3FFE];
	[sflag:s23] =	ssyncadd.s32 $0xFFFFFFFF  }
0xa5: {  	s26 =	simm.s32 $execute0_lowered;
	[smem:$0x3FD2] =	sst s25  }
0xa6: {  	s5 =	sshll.u32 s26, $0x1;
	_ =	strace $0x80000046;
	[dreg:$0x1] =	wrdreg $0xFFFFFFFF  }
0xa7: {  	s28 =	simm.s32 $_size_execute0_lowered;
	s3 =	sadd.s32 s3, s5;
	[dreg:$0x0] =	wrdreg $0x0  }
0xa8: {  	s5 =	sshll.u32 s28, $0x1;
	[dreg:$0x2] =	wrdreg s3  }
0xa9: {  	[dreg:$0x3] =	wrdreg s5  }
0xaa: {  	[dreg:$0x4] =	wrdreg $0xC0  }
0xab: {  	_ =	task [dreg:s7], $0x5FFFF  }
0xac: {  	[dreg:$0x1] =	wrdreg $0xFFFFFFFF  }
0xad: {  	[dreg:$0x0] =	wrdreg $0x60  }
0xae: {  	[dreg:$0x2] =	wrdreg s2  }
0xaf: {  	[dreg:$0x3] =	wrdreg s24  }
0xb0: {  	[dreg:$0x4] =	wrdreg $0x9  }
0xb1: {  	_ =	task.clear_ibuf [dreg:s7], $0x5FFFF;
	_ =	strace $0x90000046  }
0xb2: {  	s29 =	simm.s32 $0x9;
	_ =	strace $0x80000048  }
0xb3: {  	_ =	swait.ge [sflag:s29], $0x1  }
0xb4: {  	[sflag:s29] =	ssyncadd.s32 $0xFFFFFFFF  }
0xb5: {  	_ =	strace $0x90000048  }
0xb6: {  	_ =	sfence  }
0xb7: {  	s30 =	sld [smem:$0x0];
	_ =	sdelay $0x2  }
0xb8: {  	s31 =	sshll.u32 s1, $0xD;
	s1 =	sshrl.u32 s1, $0x2  }
0xb9: {  	s3 =	sand.u32 $0x4000, s31;
	s1 =	sadd.s32 s1, s30  }
0xba: {  	s0 =	sor.u32 s3, s0;
	s1 =	sshll.u32 s1, $0x11  }
0xbb: {  	s0 =	sor.u32 s1, s0  }
0xbc: {  	s0 =	sadd.s32 $0x8F2B, s0  }
0xbd: {  	[sflag:s0] =	ssyncadd.remote.s32 $0x1  }
0xbe: {  	_ =	sfence.sel $0xFFFF  }
0xbf: {  	[dreg:$0x0] =	wrdreg $0xFFFFFFFF;
	(pc) =	sbr.abs _section_cstart, $3  }
0xc0: {  	[dreg:$0x1] =	wrdreg $0xFFFFFFFF  }
0xc1: {  	_ =	task.clear_ibuf [dreg:s7], $0x2FFFF;
	_ =	strace $0x9FFFFFFF  }
0xc2: {  	(tm) =	ssettm $0x7FFFFFFF  }
0xc3: {  	_ =	shalt  }
tec
execute0_lowered:
.L_overlay_start_1:
0x0: {  	(tag) =	ssettag $0x1  }
0x1: {  	s0 =	srdreg.scid;
	s1 =	rddreg [dreg:$0x0]  }
0x2: {  	s2 =	stileid.u32;
	s4 =	rddreg [dreg:$0x1]  }
0x3: {  	s10 =	simm.s32 $0x1;
	s13 =	simm.s32 $0x2;
	s15 =	simm.s32 $0xA00  }
0x4: {  	s16 =	simm.s32 $0x1200;
	s17 =	simm.s32 $0x1A00;
	s18 =	simm.s32 $0x2200  }
0x5: {  	s19 =	simm.s32 $0x2A00;
	s20 =	simm.s32 $0x3200;
	s21 =	simm.s32 $0x3A00  }
0x6: {  	s22 =	simm.s32 $0x4200;
	s23 =	simm.s32 $0x4A00;
	s24 =	simm.s32 $0x5200  }
0x7: {  	s25 =	simm.s32 $0x5A00;
	s28 =	simm.s32 $0x6A00;
	s29 =	simm.s32 $0x7200  }
0x8: {  	s30 =	simm.s32 $0x7A00;
	s31 =	simm.s32 $0x8200;
	s12 =	simm.s32 $0xA200  }
0x9: {  	s9 =	simm.s32 $0xB200;
	s0 =	sand.u32 $0x1, s0;
	s2 =	sshll.u32 s2, $0x1  }
0xa: {  	s3 =	sor.u32 s0, s2;
	s2 =	simm.s32 $0x0;
	s0 =	ssub.s32 $0x2, s0  }
0xb: {  	s5 =	sshll.u32 s3, $0x5;
	[smem:$0x7FF] =	sst s2;
	s3 =	sshll.u32 s3, $0x6  }
0xc: {  	s8 =	sshrl.u32 s0, $0x1;
	s5 =	sand.u32 $0x1E0, s5;
	_ =	strace $0x80000047  }
0xd: {  	s7 =	sadd.s32 s3, s4;
	s3 =	sadd.s32 $0x21800, s4;
	s6 =	smul.u32 $0x300, s5  }
0xe: {  	s0 =	ssub.s32 s0, s8;
	s5 =	smul.u32 $0x1800, s5;
	s7 =	sadd.s32 $0x21000, s7  }
0xf: {  	s8 =	simm.s32 $0xAA00;
	[dreg:$0x3] =	wrdreg s7;
	s6 =	sadd.s32 s1, s6  }
0x10: {  	s7 =	smax.u32 s0, $0x1;
	s5 =	sshrl.u32 s5, $0x3;
	[dreg:$0x7] =	wrdreg s6  }
0x11: {  	s6 =	sadd.s32 $0x1800, s6;
	s1 =	sadd.s32 s1, s5;
	s5 =	sadd.s32 $0x21900, s4  }
0x12: {  	v2 =	vlaneseq.u32;
	[dreg:$0x4] =	wrdreg s6;
	s26 =	sadd.s32 $0x3000, s1;
	s1 =	sadd.s32 $0x4800, s1  }
0x13: {  	vm0 =	vmmov $0xffff;
	v1 =	vshrl.u32 v2, $0x3;
	s6 =	sadd.s32 $0x21A00, s4;
	s4 =	simm.s32 $0x9A00;
	[dreg:$0x5] =	wrdreg s26  }
0x14: {  	v0 =	vand.u32 $0x7, v2;
	v2 =	vor.u32 $0x8, v2;
	v1 =	vmul.u32 $0x8, v1;
	[dreg:$0x6] =	wrdreg s1;
	s26 =	simm.s32 $0x6200;
	s1 =	simm.s32 $0xBA00  }
.LBB2_1:
0x15: {  	s14 =	rddreg [dreg:$0x3];
	s0 =	simm.s32 $0x3  }
0x16: {  	[tilespmem:s2], [sflag:$0x3] =	stream.linear.gather [hbm4b:s14+s2], $0x200, $0x38;
	[tilespmem:$0x18200] =	vst v63  }
0x17: {  	_ =	swait.ge [sflag:s0], $0x200  }
0x18: {  	[sflag:s0] =	ssyncset.done $0x0  }
0x19: {  	s11 =	simm.s32 $0x200;
	[sflag:s0] =	ssyncadd.s32 $0xFFFFFE00;
	s0 =	rddreg [dreg:$0x7]  }
0x1a: {  	[tilespmem:s11], [sflag:$0x1] =	stream.linear.gather [hbm4b:s0+s2], $0xC000, $0x38;
	[tilespmem:$0x18200] =	vst v63  }
0x1b: {  	_ =	swait.ge [sflag:s10], $0xC000  }
0x1c: {  	[sflag:s10] =	ssyncset.done $0x0  }
0x1d: {  	[sflag:s10] =	ssyncadd.s32 $0xFFFF4000  }
0x1e: {  	v3 =	vld [tilespmem:$0x0];
	_ =	sdelay $0x4  }
0x1f: {  	v4 =	vshrl.u32 v3, $0x3  }
0x20: {  	v4 =	vmul.u32 $0x30, v4  }
0x21: {  	v3 =	vand.u32 $0x7, v3  }
0x22: {  	v3 =	vor.u32 v3, v4  }
0x23: {  	v4 =	vperm.xlane v3, v0;
	_ =	sdelay $0x1  }
0x24: {  	v4 =	vadd.s32 v1, v4;
	_ =	sdelay $0x3  }
0x25: {  	v3 =	vperm.xlane v3, v2  }
0x26: {  	[hbm4b:s3+s2] =	stream.indirect_vreg.scatter [tilespmem:s11], [sflag:$0x2], $0x80, v4, vm0, $0xb8;
	[tilespmem:$0x18200] =	vst v63  }
0x27: {  	v3 =	vadd.s32 v1, v3  }
0x28: {  	[hbm4b:s5+s2] =	stream.indirect_vreg.scatter [tilespmem:s15], [sflag:$0x2], $0x80, v4, vm0, $0xb8;
	[tilespmem:$0x18200] =	vst v63  }
0x29: {  	_ = 	snop  }
0x2a: {  	[hbm4b:s6+s2] =	stream.indirect_vreg.scatter [tilespmem:s16], [sflag:$0x2], $0x80, v4, vm0, $0xb8;
	[tilespmem:$0x18200] =	vst v63  }
0x2b: {  	_ = 	snop  }
0x2c: {  	[hbm4b:s3+s2] =	stream.indirect_vreg.scatter [tilespmem:s17], [sflag:$0x2], $0x80, v3, vm0, $0xb8;
	[tilespmem:$0x18200] =	vst v63  }
0x2d: {  	_ = 	snop  }
0x2e: {  	[hbm4b:s5+s2] =	stream.indirect_vreg.scatter [tilespmem:s18], [sflag:$0x2], $0x80, v3, vm0, $0xb8;
	[tilespmem:$0x18200] =	vst v63  }
0x2f: {  	_ = 	snop  }
0x30: {  	[hbm4b:s6+s2] =	stream.indirect_vreg.scatter [tilespmem:s19], [sflag:$0x2], $0x80, v3, vm0, $0xb8;
	[tilespmem:$0x18200] =	vst v63  }
0x31: {  	v3 =	vld [tilespmem:$0x10];
	_ =	sdelay $0x4  }
0x32: {  	v49 =	vshrl.u32 v3, $0x3  }
0x33: {  	v4 =	vmul.u32 $0x30, v49  }
0x34: {  	v3 =	vand.u32 $0x7, v3  }
0x35: {  	v3 =	vor.u32 v3, v4  }
0x36: {  	v4 =	vperm.xlane v3, v0;
	_ =	sdelay $0x1  }
0x37: {  	v4 =	vadd.s32 v1, v4;
	_ =	sdelay $0x3  }
0x38: {  	v3 =	vperm.xlane v3, v2  }
0x39: {  	[hbm4b:s3+s2] =	stream.indirect_vreg.scatter [tilespmem:s20], [sflag:$0x2], $0x80, v4, vm0, $0xb8;
	[tilespmem:$0x18200] =	vst v63  }
0x3a: {  	v3 =	vadd.s32 v1, v3  }
0x3b: {  	[hbm4b:s5+s2] =	stream.indirect_vreg.scatter [tilespmem:s21], [sflag:$0x2], $0x80, v4, vm0, $0xb8;
	[tilespmem:$0x18200] =	vst v63  }
0x3c: {  	_ = 	snop  }
0x3d: {  	[hbm4b:s6+s2] =	stream.indirect_vreg.scatter [tilespmem:s22], [sflag:$0x2], $0x80, v4, vm0, $0xb8;
	[tilespmem:$0x18200] =	vst v63  }
0x3e: {  	_ = 	snop  }
0x3f: {  	[hbm4b:s3+s2] =	stream.indirect_vreg.scatter [tilespmem:s23], [sflag:$0x2], $0x80, v3, vm0, $0xb8;
	[tilespmem:$0x18200] =	vst v63  }
0x40: {  	_ = 	snop  }
0x41: {  	[hbm4b:s5+s2] =	stream.indirect_vreg.scatter [tilespmem:s24], [sflag:$0x2], $0x80, v3, vm0, $0xb8;
	[tilespmem:$0x18200] =	vst v63  }
0x42: {  	_ = 	snop  }
0x43: {  	[hbm4b:s6+s2] =	stream.indirect_vreg.scatter [tilespmem:s25], [sflag:$0x2], $0x80, v3, vm0, $0xb8;
	[tilespmem:$0x18200] =	vst v63  }
0x44: {  	v3 =	vld [tilespmem:$0x20];
	_ =	sdelay $0x4  }
0x45: {  	v50 =	vshrl.u32 v3, $0x3  }
0x46: {  	v4 =	vmul.u32 $0x30, v50  }
0x47: {  	v3 =	vand.u32 $0x7, v3  }
0x48: {  	v3 =	vor.u32 v3, v4  }
0x49: {  	v4 =	vperm.xlane v3, v0;
	_ =	sdelay $0x1  }
0x4a: {  	v4 =	vadd.s32 v1, v4;
	_ =	sdelay $0x3  }
0x4b: {  	v3 =	vperm.xlane v3, v2  }
0x4c: {  	[hbm4b:s3+s2] =	stream.indirect_vreg.scatter [tilespmem:s26], [sflag:$0x2], $0x80, v4, vm0, $0xb8;
	[tilespmem:$0x18200] =	vst v63  }
0x4d: {  	v3 =	vadd.s32 v1, v3  }
0x4e: {  	[hbm4b:s5+s2] =	stream.indirect_vreg.scatter [tilespmem:s28], [sflag:$0x2], $0x80, v4, vm0, $0xb8;
	[tilespmem:$0x18200] =	vst v63  }
0x4f: {  	_ = 	snop  }
0x50: {  	[hbm4b:s6+s2] =	stream.indirect_vreg.scatter [tilespmem:s29], [sflag:$0x2], $0x80, v4, vm0, $0xb8;
	[tilespmem:$0x18200] =	vst v63  }
0x51: {  	_ = 	snop  }
0x52: {  	[hbm4b:s3+s2] =	stream.indirect_vreg.scatter [tilespmem:s30], [sflag:$0x2], $0x80, v3, vm0, $0xb8;
	[tilespmem:$0x18200] =	vst v63  }
0x53: {  	_ = 	snop  }
0x54: {  	[hbm4b:s5+s2] =	stream.indirect_vreg.scatter [tilespmem:s31], [sflag:$0x2], $0x80, v3, vm0, $0xb8;
	[tilespmem:$0x18200] =	vst v63  }
0x55: {  	s14 =	simm.s32 $0x8A00  }
0x56: {  	[hbm4b:s6+s2] =	stream.indirect_vreg.scatter [tilespmem:s14], [sflag:$0x2], $0x80, v3, vm0, $0xb8;
	[tilespmem:$0x18200] =	vst v63  }
0x57: {  	v3 =	vld [tilespmem:$0x30];
	_ =	sdelay $0x4  }
0x58: {  	v51 =	vshrl.u32 v3, $0x3  }
0x59: {  	v4 =	vmul.u32 $0x30, v51  }
0x5a: {  	v3 =	vand.u32 $0x7, v3  }
0x5b: {  	v3 =	vor.u32 v3, v4  }
0x5c: {  	v4 =	vperm.xlane v3, v0;
	_ =	sdelay $0x1  }
0x5d: {  	v4 =	vadd.s32 v1, v4;
	_ =	sdelay $0x3  }
0x5e: {  	s14 =	simm.s32 $0x9200;
	v3 =	vperm.xlane v3, v2  }
0x5f: {  	[hbm4b:s3+s2] =	stream.indirect_vreg.scatter [tilespmem:s14], [sflag:$0x2], $0x80, v4, vm0, $0xb8;
	[tilespmem:$0x18200] =	vst v63  }
0x60: {  	v3 =	vadd.s32 v1, v3  }
0x61: {  	[hbm4b:s5+s2] =	stream.indirect_vreg.scatter [tilespmem:s4], [sflag:$0x2], $0x80, v4, vm0, $0xb8;
	[tilespmem:$0x18200] =	vst v63  }
0x62: {  	_ = 	snop  }
0x63: {  	[hbm4b:s6+s2] =	stream.indirect_vreg.scatter [tilespmem:s12], [sflag:$0x2], $0x80, v4, vm0, $0xb8;
	[tilespmem:$0x18200] =	vst v63  }
0x64: {  	_ = 	snop  }
0x65: {  	[hbm4b:s3+s2] =	stream.indirect_vreg.scatter [tilespmem:s8], [sflag:$0x2], $0x80, v3, vm0, $0xb8;
	[tilespmem:$0x18200] =	vst v63  }
0x66: {  	_ = 	snop  }
0x67: {  	[hbm4b:s5+s2] =	stream.indirect_vreg.scatter [tilespmem:s9], [sflag:$0x2], $0x80, v3, vm0, $0xb8;
	[tilespmem:$0x18200] =	vst v63  }
0x68: {  	_ = 	snop  }
0x69: {  	[hbm4b:s6+s2] =	stream.indirect_vreg.scatter [tilespmem:s1], [sflag:$0x2], $0x80, v3, vm0, $0xb8;
	[tilespmem:$0x18200] =	vst v63  }
0x6a: {  	s0 =	simm.s32 $0xC200;
	s14 =	rddreg [dreg:$0x4]  }
0x6b: {  	[tilespmem:s0], [sflag:$0x1] =	stream.linear.gather [hbm4b:s14+s2], $0xC000, $0x38;
	[tilespmem:$0x18200] =	vst v63  }
0x6c: {  	_ =	swait.ge [sflag:s10], $0xC000  }
0x6d: {  	[sflag:s10] =	ssyncset.done $0x0  }
0x6e: {  	[sflag:s10] =	ssyncadd.s32 $0xFFFF4000  }
0x6f: {  	v3 =	vld [tilespmem:$0x80];
	_ =	sdelay $0x4  }
0x70: {  	v52 =	vshrl.u32 v3, $0x3  }
0x71: {  	v4 =	vmul.u32 $0x30, v52  }
0x72: {  	v3 =	vand.u32 $0x7, v3  }
0x73: {  	v3 =	vor.u32 v3, v4  }
0x74: {  	v4 =	vperm.xlane v3, v0;
	_ =	sdelay $0x1  }
0x75: {  	v4 =	vadd.s32 v1, v4;
	_ =	sdelay $0x3  }
0x76: {  	v3 =	vperm.xlane v3, v2  }
0x77: {  	[hbm4b:s3+s2] =	stream.indirect_vreg.scatter [tilespmem:s0], [sflag:$0x2], $0x80, v4, vm0, $0xb8;
	[tilespmem:$0x18200] =	vst v63  }
0x78: {  	s14 =	simm.s32 $0xCA00;
	v3 =	vadd.s32 v1, v3  }
0x79: {  	[hbm4b:s5+s2] =	stream.indirect_vreg.scatter [tilespmem:s14], [sflag:$0x2], $0x80, v4, vm0, $0xb8;
	[tilespmem:$0x18200] =	vst v63  }
0x7a: {  	s14 =	simm.s32 $0xD200  }
0x7b: {  	[hbm4b:s6+s2] =	stream.indirect_vreg.scatter [tilespmem:s14], [sflag:$0x2], $0x80, v4, vm0, $0xb8;
	[tilespmem:$0x18200] =	vst v63  }
0x7c: {  	s14 =	simm.s32 $0xDA00  }
0x7d: {  	[hbm4b:s3+s2] =	stream.indirect_vreg.scatter [tilespmem:s14], [sflag:$0x2], $0x80, v3, vm0, $0xb8;
	[tilespmem:$0x18200] =	vst v63  }
0x7e: {  	s14 =	simm.s32 $0xE200  }
0x7f: {  	[hbm4b:s5+s2] =	stream.indirect_vreg.scatter [tilespmem:s14], [sflag:$0x2], $0x80, v3, vm0, $0xb8;
	[tilespmem:$0x18200] =	vst v63  }
0x80: {  	s14 =	simm.s32 $0xEA00  }
0x81: {  	[hbm4b:s6+s2] =	stream.indirect_vreg.scatter [tilespmem:s14], [sflag:$0x2], $0x80, v3, vm0, $0xb8;
	[tilespmem:$0x18200] =	vst v63  }
0x82: {  	v3 =	vld [tilespmem:$0x90];
	_ =	sdelay $0x4  }
0x83: {  	v53 =	vshrl.u32 v3, $0x3  }
0x84: {  	v4 =	vmul.u32 $0x30, v53  }
0x85: {  	v3 =	vand.u32 $0x7, v3  }
0x86: {  	v3 =	vor.u32 v3, v4  }
0x87: {  	v4 =	vperm.xlane v3, v0;
	_ =	sdelay $0x1  }
0x88: {  	v4 =	vadd.s32 v1, v4;
	_ =	sdelay $0x3  }
0x89: {  	s14 =	simm.s32 $0xF200;
	v3 =	vperm.xlane v3, v2  }
0x8a: {  	[hbm4b:s3+s2] =	stream.indirect_vreg.scatter [tilespmem:s14], [sflag:$0x2], $0x80, v4, vm0, $0xb8;
	[tilespmem:$0x18200] =	vst v63  }
0x8b: {  	v3 =	vadd.s32 v1, v3;
	s14 =	simm.s32 $0xFA00  }
0x8c: {  	[hbm4b:s5+s2] =	stream.indirect_vreg.scatter [tilespmem:s14], [sflag:$0x2], $0x80, v4, vm0, $0xb8;
	[tilespmem:$0x18200] =	vst v63  }
0x8d: {  	s14 =	simm.s32 $0x10200  }
0x8e: {  	[hbm4b:s6+s2] =	stream.indirect_vreg.scatter [tilespmem:s14], [sflag:$0x2], $0x80, v4, vm0, $0xb8;
	[tilespmem:$0x18200] =	vst v63  }
0x8f: {  	s14 =	simm.s32 $0x10A00  }
0x90: {  	[hbm4b:s3+s2] =	stream.indirect_vreg.scatter [tilespmem:s14], [sflag:$0x2], $0x80, v3, vm0, $0xb8;
	[tilespmem:$0x18200] =	vst v63  }
0x91: {  	s14 =	simm.s32 $0x11200  }
0x92: {  	[hbm4b:s5+s2] =	stream.indirect_vreg.scatter [tilespmem:s14], [sflag:$0x2], $0x80, v3, vm0, $0xb8;
	[tilespmem:$0x18200] =	vst v63  }
0x93: {  	s14 =	simm.s32 $0x11A00  }
0x94: {  	[hbm4b:s6+s2] =	stream.indirect_vreg.scatter [tilespmem:s14], [sflag:$0x2], $0x80, v3, vm0, $0xb8;
	[tilespmem:$0x18200] =	vst v63  }
0x95: {  	v3 =	vld [tilespmem:$0xA0];
	_ =	sdelay $0x4  }
0x96: {  	v54 =	vshrl.u32 v3, $0x3  }
0x97: {  	v4 =	vmul.u32 $0x30, v54  }
0x98: {  	v3 =	vand.u32 $0x7, v3  }
0x99: {  	v3 =	vor.u32 v3, v4  }
0x9a: {  	v4 =	vperm.xlane v3, v0;
	_ =	sdelay $0x1  }
0x9b: {  	v4 =	vadd.s32 v1, v4;
	_ =	sdelay $0x3  }
0x9c: {  	s14 =	simm.s32 $0x12200;
	v3 =	vperm.xlane v3, v2  }
0x9d: {  	[hbm4b:s3+s2] =	stream.indirect_vreg.scatter [tilespmem:s14], [sflag:$0x2], $0x80, v4, vm0, $0xb8;
	[tilespmem:$0x18200] =	vst v63  }
0x9e: {  	v3 =	vadd.s32 v1, v3;
	s14 =	simm.s32 $0x12A00  }
0x9f: {  	[hbm4b:s5+s2] =	stream.indirect_vreg.scatter [tilespmem:s14], [sflag:$0x2], $0x80, v4, vm0, $0xb8;
	[tilespmem:$0x18200] =	vst v63  }
0xa0: {  	s14 =	simm.s32 $0x13200  }
0xa1: {  	[hbm4b:s6+s2] =	stream.indirect_vreg.scatter [tilespmem:s14], [sflag:$0x2], $0x80, v4, vm0, $0xb8;
	[tilespmem:$0x18200] =	vst v63  }
0xa2: {  	s14 =	simm.s32 $0x13A00  }
0xa3: {  	[hbm4b:s3+s2] =	stream.indirect_vreg.scatter [tilespmem:s14], [sflag:$0x2], $0x80, v3, vm0, $0xb8;
	[tilespmem:$0x18200] =	vst v63  }
0xa4: {  	s14 =	simm.s32 $0x14200  }
0xa5: {  	[hbm4b:s5+s2] =	stream.indirect_vreg.scatter [tilespmem:s14], [sflag:$0x2], $0x80, v3, vm0, $0xb8;
	[tilespmem:$0x18200] =	vst v63  }
0xa6: {  	s14 =	simm.s32 $0x14A00  }
0xa7: {  	[hbm4b:s6+s2] =	stream.indirect_vreg.scatter [tilespmem:s14], [sflag:$0x2], $0x80, v3, vm0, $0xb8;
	[tilespmem:$0x18200] =	vst v63  }
0xa8: {  	v3 =	vld [tilespmem:$0xB0];
	_ =	sdelay $0x4  }
0xa9: {  	v55 =	vshrl.u32 v3, $0x3  }
0xaa: {  	v4 =	vmul.u32 $0x30, v55  }
0xab: {  	v3 =	vand.u32 $0x7, v3  }
0xac: {  	v3 =	vor.u32 v3, v4  }
0xad: {  	v4 =	vperm.xlane v3, v0;
	_ =	sdelay $0x1  }
0xae: {  	v4 =	vadd.s32 v1, v4;
	_ =	sdelay $0x3  }
0xaf: {  	s14 =	simm.s32 $0x15200;
	v3 =	vperm.xlane v3, v2  }
0xb0: {  	[hbm4b:s3+s2] =	stream.indirect_vreg.scatter [tilespmem:s14], [sflag:$0x2], $0x80, v4, vm0, $0xb8;
	[tilespmem:$0x18200] =	vst v63  }
0xb1: {  	v3 =	vadd.s32 v1, v3;
	s14 =	simm.s32 $0x15A00  }
0xb2: {  	[hbm4b:s5+s2] =	stream.indirect_vreg.scatter [tilespmem:s14], [sflag:$0x2], $0x80, v4, vm0, $0xb8;
	[tilespmem:$0x18200] =	vst v63  }
0xb3: {  	s14 =	simm.s32 $0x16200  }
0xb4: {  	[hbm4b:s6+s2] =	stream.indirect_vreg.scatter [tilespmem:s14], [sflag:$0x2], $0x80, v4, vm0, $0xb8;
	[tilespmem:$0x18200] =	vst v63  }
0xb5: {  	s14 =	simm.s32 $0x16A00  }
0xb6: {  	[hbm4b:s3+s2] =	stream.indirect_vreg.scatter [tilespmem:s14], [sflag:$0x2], $0x80, v3, vm0, $0xb8;
	[tilespmem:$0x18200] =	vst v63  }
0xb7: {  	s14 =	simm.s32 $0x17200  }
0xb8: {  	[hbm4b:s5+s2] =	stream.indirect_vreg.scatter [tilespmem:s14], [sflag:$0x2], $0x80, v3, vm0, $0xb8;
	[tilespmem:$0x18200] =	vst v63  }
0xb9: {  	s14 =	simm.s32 $0x17A00  }
0xba: {  	[hbm4b:s6+s2] =	stream.indirect_vreg.scatter [tilespmem:s14], [sflag:$0x2], $0x80, v3, vm0, $0xb8;
	[tilespmem:$0x18200] =	vst v63  }
0xbb: {  	_ =	swait.ge [sflag:s13], $0xC000  }
0xbc: {  	[sflag:s13] =	ssyncset.done $0x0  }
0xbd: {  	s14 =	rddreg [dreg:$0x5];
	[sflag:s13] =	ssyncadd.s32 $0xFFFF4000  }
0xbe: {  	[tilespmem:s11], [sflag:$0x1] =	stream.linear.gather [hbm4b:s14+s2], $0xC000, $0x38;
	[tilespmem:$0x18200] =	vst v63  }
0xbf: {  	_ =	swait.ge [sflag:s10], $0xC000  }
0xc0: {  	[sflag:s10] =	ssyncset.done $0x0  }
0xc1: {  	[sflag:s10] =	ssyncadd.s32 $0xFFFF4000  }
0xc2: {  	v3 =	vld [tilespmem:$0x100];
	_ =	sdelay $0x4  }
0xc3: {  	v56 =	vshrl.u32 v3, $0x3  }
0xc4: {  	v4 =	vmul.u32 $0x30, v56  }
0xc5: {  	v3 =	vand.u32 $0x7, v3  }
0xc6: {  	v3 =	vor.u32 v3, v4  }
0xc7: {  	v4 =	vperm.xlane v3, v0;
	_ =	sdelay $0x1  }
0xc8: {  	v4 =	vadd.s32 v1, v4;
	_ =	sdelay $0x3  }
0xc9: {  	v3 =	vperm.xlane v3, v2  }
0xca: {  	[hbm4b:s3+s2] =	stream.indirect_vreg.scatter [tilespmem:s11], [sflag:$0x2], $0x80, v4, vm0, $0xb8;
	[tilespmem:$0x18200] =	vst v63  }
0xcb: {  	v3 =	vadd.s32 v1, v3  }
0xcc: {  	[hbm4b:s5+s2] =	stream.indirect_vreg.scatter [tilespmem:s15], [sflag:$0x2], $0x80, v4, vm0, $0xb8;
	[tilespmem:$0x18200] =	vst v63  }
0xcd: {  	_ = 	snop  }
0xce: {  	[hbm4b:s6+s2] =	stream.indirect_vreg.scatter [tilespmem:s16], [sflag:$0x2], $0x80, v4, vm0, $0xb8;
	[tilespmem:$0x18200] =	vst v63  }
0xcf: {  	_ = 	snop  }
0xd0: {  	[hbm4b:s3+s2] =	stream.indirect_vreg.scatter [tilespmem:s17], [sflag:$0x2], $0x80, v3, vm0, $0xb8;
	[tilespmem:$0x18200] =	vst v63  }
0xd1: {  	_ = 	snop  }
0xd2: {  	[hbm4b:s5+s2] =	stream.indirect_vreg.scatter [tilespmem:s18], [sflag:$0x2], $0x80, v3, vm0, $0xb8;
	[tilespmem:$0x18200] =	vst v63  }
0xd3: {  	_ = 	snop  }
0xd4: {  	[hbm4b:s6+s2] =	stream.indirect_vreg.scatter [tilespmem:s19], [sflag:$0x2], $0x80, v3, vm0, $0xb8;
	[tilespmem:$0x18200] =	vst v63  }
0xd5: {  	v3 =	vld [tilespmem:$0x110];
	_ =	sdelay $0x4  }
0xd6: {  	v57 =	vshrl.u32 v3, $0x3  }
0xd7: {  	v4 =	vmul.u32 $0x30, v57  }
0xd8: {  	v3 =	vand.u32 $0x7, v3  }
0xd9: {  	v3 =	vor.u32 v3, v4  }
0xda: {  	v4 =	vperm.xlane v3, v0;
	_ =	sdelay $0x1  }
0xdb: {  	v4 =	vadd.s32 v1, v4;
	_ =	sdelay $0x3  }
0xdc: {  	v3 =	vperm.xlane v3, v2  }
0xdd: {  	[hbm4b:s3+s2] =	stream.indirect_vreg.scatter [tilespmem:s20], [sflag:$0x2], $0x80, v4, vm0, $0xb8;
	[tilespmem:$0x18200] =	vst v63  }
0xde: {  	v3 =	vadd.s32 v1, v3  }
0xdf: {  	[hbm4b:s5+s2] =	stream.indirect_vreg.scatter [tilespmem:s21], [sflag:$0x2], $0x80, v4, vm0, $0xb8;
	[tilespmem:$0x18200] =	vst v63  }
0xe0: {  	_ = 	snop  }
0xe1: {  	[hbm4b:s6+s2] =	stream.indirect_vreg.scatter [tilespmem:s22], [sflag:$0x2], $0x80, v4, vm0, $0xb8;
	[tilespmem:$0x18200] =	vst v63  }
0xe2: {  	_ = 	snop  }
0xe3: {  	[hbm4b:s3+s2] =	stream.indirect_vreg.scatter [tilespmem:s23], [sflag:$0x2], $0x80, v3, vm0, $0xb8;
	[tilespmem:$0x18200] =	vst v63  }
0xe4: {  	_ = 	snop  }
0xe5: {  	[hbm4b:s5+s2] =	stream.indirect_vreg.scatter [tilespmem:s24], [sflag:$0x2], $0x80, v3, vm0, $0xb8;
	[tilespmem:$0x18200] =	vst v63  }
0xe6: {  	_ = 	snop  }
0xe7: {  	[hbm4b:s6+s2] =	stream.indirect_vreg.scatter [tilespmem:s25], [sflag:$0x2], $0x80, v3, vm0, $0xb8;
	[tilespmem:$0x18200] =	vst v63  }
0xe8: {  	v3 =	vld [tilespmem:$0x120];
	_ =	sdelay $0x4  }
0xe9: {  	v58 =	vshrl.u32 v3, $0x3  }
0xea: {  	v4 =	vmul.u32 $0x30, v58  }
0xeb: {  	v3 =	vand.u32 $0x7, v3  }
0xec: {  	v3 =	vor.u32 v3, v4  }
0xed: {  	v4 =	vperm.xlane v3, v0;
	_ =	sdelay $0x1  }
0xee: {  	v4 =	vadd.s32 v1, v4;
	_ =	sdelay $0x3  }
0xef: {  	v3 =	vperm.xlane v3, v2  }
0xf0: {  	[hbm4b:s3+s2] =	stream.indirect_vreg.scatter [tilespmem:s26], [sflag:$0x2], $0x80, v4, vm0, $0xb8;
	[tilespmem:$0x18200] =	vst v63  }
0xf1: {  	v3 =	vadd.s32 v1, v3  }
0xf2: {  	[hbm4b:s5+s2] =	stream.indirect_vreg.scatter [tilespmem:s28], [sflag:$0x2], $0x80, v4, vm0, $0xb8;
	[tilespmem:$0x18200] =	vst v63  }
0xf3: {  	_ = 	snop  }
0xf4: {  	[hbm4b:s6+s2] =	stream.indirect_vreg.scatter [tilespmem:s29], [sflag:$0x2], $0x80, v4, vm0, $0xb8;
	[tilespmem:$0x18200] =	vst v63  }
0xf5: {  	_ = 	snop  }
0xf6: {  	[hbm4b:s3+s2] =	stream.indirect_vreg.scatter [tilespmem:s30], [sflag:$0x2], $0x80, v3, vm0, $0xb8;
	[tilespmem:$0x18200] =	vst v63  }
0xf7: {  	_ = 	snop  }
0xf8: {  	[hbm4b:s5+s2] =	stream.indirect_vreg.scatter [tilespmem:s31], [sflag:$0x2], $0x80, v3, vm0, $0xb8;
	[tilespmem:$0x18200] =	vst v63  }
0xf9: {  	s14 =	simm.s32 $0x8A00  }
0xfa: {  	[hbm4b:s6+s2] =	stream.indirect_vreg.scatter [tilespmem:s14], [sflag:$0x2], $0x80, v3, vm0, $0xb8;
	[tilespmem:$0x18200] =	vst v63  }
0xfb: {  	v3 =	vld [tilespmem:$0x130];
	_ =	sdelay $0x4  }
0xfc: {  	v59 =	vshrl.u32 v3, $0x3  }
0xfd: {  	v4 =	vmul.u32 $0x30, v59  }
0xfe: {  	v3 =	vand.u32 $0x7, v3  }
0xff: {  	v3 =	vor.u32 v3, v4  }
0x100: {  	v4 =	vperm.xlane v3, v0;
	_ =	sdelay $0x1  }
0x101: {  	v4 =	vadd.s32 v1, v4;
	_ =	sdelay $0x3  }
0x102: {  	s14 =	simm.s32 $0x9200;
	v3 =	vperm.xlane v3, v2  }
0x103: {  	[hbm4b:s3+s2] =	stream.indirect_vreg.scatter [tilespmem:s14], [sflag:$0x2], $0x80, v4, vm0, $0xb8;
	[tilespmem:$0x18200] =	vst v63  }
0x104: {  	v3 =	vadd.s32 v1, v3  }
0x105: {  	[hbm4b:s5+s2] =	stream.indirect_vreg.scatter [tilespmem:s4], [sflag:$0x2], $0x80, v4, vm0, $0xb8;
	[tilespmem:$0x18200] =	vst v63  }
0x106: {  	_ = 	snop  }
0x107: {  	[hbm4b:s6+s2] =	stream.indirect_vreg.scatter [tilespmem:s12], [sflag:$0x2], $0x80, v4, vm0, $0xb8;
	[tilespmem:$0x18200] =	vst v63  }
0x108: {  	_ = 	snop  }
0x109: {  	[hbm4b:s3+s2] =	stream.indirect_vreg.scatter [tilespmem:s8], [sflag:$0x2], $0x80, v3, vm0, $0xb8;
	[tilespmem:$0x18200] =	vst v63  }
0x10a: {  	_ = 	snop  }
0x10b: {  	[hbm4b:s5+s2] =	stream.indirect_vreg.scatter [tilespmem:s9], [sflag:$0x2], $0x80, v3, vm0, $0xb8;
	[tilespmem:$0x18200] =	vst v63  }
0x10c: {  	_ = 	snop  }
0x10d: {  	[hbm4b:s6+s2] =	stream.indirect_vreg.scatter [tilespmem:s1], [sflag:$0x2], $0x80, v3, vm0, $0xb8;
	[tilespmem:$0x18200] =	vst v63  }
0x10e: {  	_ =	swait.ge [sflag:s13], $0xC000  }
0x10f: {  	[sflag:s13] =	ssyncset.done $0x0  }
0x110: {  	s11 =	rddreg [dreg:$0x6];
	[sflag:s13] =	ssyncadd.s32 $0xFFFF4000  }
0x111: {  	[tilespmem:s0], [sflag:$0x1] =	stream.linear.gather [hbm4b:s11+s2], $0xC000, $0x38;
	[tilespmem:$0x18200] =	vst v63  }
0x112: {  	_ =	swait.ge [sflag:s10], $0xC000  }
0x113: {  	[sflag:s10] =	ssyncset.done $0x0  }
0x114: {  	[sflag:s10] =	ssyncadd.s32 $0xFFFF4000  }
0x115: {  	v3 =	vld [tilespmem:$0x180];
	_ =	sdelay $0x4  }
0x116: {  	v60 =	vshrl.u32 v3, $0x3  }
0x117: {  	v4 =	vmul.u32 $0x30, v60  }
0x118: {  	v3 =	vand.u32 $0x7, v3  }
0x119: {  	v3 =	vor.u32 v3, v4  }
0x11a: {  	v4 =	vperm.xlane v3, v0;
	_ =	sdelay $0x1  }
0x11b: {  	v4 =	vadd.s32 v1, v4;
	_ =	sdelay $0x3  }
0x11c: {  	v3 =	vperm.xlane v3, v2  }
0x11d: {  	[hbm4b:s3+s2] =	stream.indirect_vreg.scatter [tilespmem:s0], [sflag:$0x2], $0x80, v4, vm0, $0xb8;
	[tilespmem:$0x18200] =	vst v63  }
0x11e: {  	s14 =	simm.s32 $0xCA00;
	v3 =	vadd.s32 v1, v3  }
0x11f: {  	[hbm4b:s5+s2] =	stream.indirect_vreg.scatter [tilespmem:s14], [sflag:$0x2], $0x80, v4, vm0, $0xb8;
	[tilespmem:$0x18200] =	vst v63  }
0x120: {  	s11 =	simm.s32 $0xD200  }
0x121: {  	[hbm4b:s6+s2] =	stream.indirect_vreg.scatter [tilespmem:s11], [sflag:$0x2], $0x80, v4, vm0, $0xb8;
	[tilespmem:$0x18200] =	vst v63  }
0x122: {  	s14 =	simm.s32 $0xDA00  }
0x123: {  	[hbm4b:s3+s2] =	stream.indirect_vreg.scatter [tilespmem:s14], [sflag:$0x2], $0x80, v3, vm0, $0xb8;
	[tilespmem:$0x18200] =	vst v63  }
0x124: {  	s11 =	simm.s32 $0xE200  }
0x125: {  	[hbm4b:s5+s2] =	stream.indirect_vreg.scatter [tilespmem:s11], [sflag:$0x2], $0x80, v3, vm0, $0xb8;
	[tilespmem:$0x18200] =	vst v63  }
0x126: {  	s14 =	simm.s32 $0xEA00  }
0x127: {  	[hbm4b:s6+s2] =	stream.indirect_vreg.scatter [tilespmem:s14], [sflag:$0x2], $0x80, v3, vm0, $0xb8;
	[tilespmem:$0x18200] =	vst v63  }
0x128: {  	v3 =	vld [tilespmem:$0x190];
	_ =	sdelay $0x4  }
0x129: {  	v61 =	vshrl.u32 v3, $0x3  }
0x12a: {  	v4 =	vmul.u32 $0x30, v61  }
0x12b: {  	v3 =	vand.u32 $0x7, v3  }
0x12c: {  	v3 =	vor.u32 v3, v4  }
0x12d: {  	v4 =	vperm.xlane v3, v0;
	_ =	sdelay $0x1  }
0x12e: {  	v4 =	vadd.s32 v1, v4;
	_ =	sdelay $0x3  }
0x12f: {  	s11 =	simm.s32 $0xF200;
	v3 =	vperm.xlane v3, v2  }
0x130: {  	[hbm4b:s3+s2] =	stream.indirect_vreg.scatter [tilespmem:s11], [sflag:$0x2], $0x80, v4, vm0, $0xb8;
	[tilespmem:$0x18200] =	vst v63  }
0x131: {  	s14 =	simm.s32 $0xFA00;
	v3 =	vadd.s32 v1, v3  }
0x132: {  	[hbm4b:s5+s2] =	stream.indirect_vreg.scatter [tilespmem:s14], [sflag:$0x2], $0x80, v4, vm0, $0xb8;
	[tilespmem:$0x18200] =	vst v63  }
0x133: {  	s11 =	simm.s32 $0x10200  }
0x134: {  	[hbm4b:s6+s2] =	stream.indirect_vreg.scatter [tilespmem:s11], [sflag:$0x2], $0x80, v4, vm0, $0xb8;
	[tilespmem:$0x18200] =	vst v63  }
0x135: {  	s14 =	simm.s32 $0x10A00  }
0x136: {  	[hbm4b:s3+s2] =	stream.indirect_vreg.scatter [tilespmem:s14], [sflag:$0x2], $0x80, v3, vm0, $0xb8;
	[tilespmem:$0x18200] =	vst v63  }
0x137: {  	s11 =	simm.s32 $0x11200  }
0x138: {  	[hbm4b:s5+s2] =	stream.indirect_vreg.scatter [tilespmem:s11], [sflag:$0x2], $0x80, v3, vm0, $0xb8;
	[tilespmem:$0x18200] =	vst v63  }
0x139: {  	s14 =	simm.s32 $0x11A00  }
0x13a: {  	[hbm4b:s6+s2] =	stream.indirect_vreg.scatter [tilespmem:s14], [sflag:$0x2], $0x80, v3, vm0, $0xb8;
	[tilespmem:$0x18200] =	vst v63  }
0x13b: {  	v3 =	vld [tilespmem:$0x1A0];
	_ =	sdelay $0x4  }
0x13c: {  	v62 =	vshrl.u32 v3, $0x3  }
0x13d: {  	v4 =	vmul.u32 $0x30, v62  }
0x13e: {  	v3 =	vand.u32 $0x7, v3  }
0x13f: {  	v3 =	vor.u32 v3, v4  }
0x140: {  	v4 =	vperm.xlane v3, v0;
	_ =	sdelay $0x1  }
0x141: {  	v4 =	vadd.s32 v1, v4;
	_ =	sdelay $0x3  }
0x142: {  	s11 =	simm.s32 $0x12200;
	v3 =	vperm.xlane v3, v2  }
0x143: {  	[hbm4b:s3+s2] =	stream.indirect_vreg.scatter [tilespmem:s11], [sflag:$0x2], $0x80, v4, vm0, $0xb8;
	[tilespmem:$0x18200] =	vst v63  }
0x144: {  	s14 =	simm.s32 $0x12A00;
	v3 =	vadd.s32 v1, v3  }
0x145: {  	[hbm4b:s5+s2] =	stream.indirect_vreg.scatter [tilespmem:s14], [sflag:$0x2], $0x80, v4, vm0, $0xb8;
	[tilespmem:$0x18200] =	vst v63  }
0x146: {  	s11 =	simm.s32 $0x13200  }
0x147: {  	[hbm4b:s6+s2] =	stream.indirect_vreg.scatter [tilespmem:s11], [sflag:$0x2], $0x80, v4, vm0, $0xb8;
	[tilespmem:$0x18200] =	vst v63  }
0x148: {  	s14 =	simm.s32 $0x13A00  }
0x149: {  	[hbm4b:s3+s2] =	stream.indirect_vreg.scatter [tilespmem:s14], [sflag:$0x2], $0x80, v3, vm0, $0xb8;
	[tilespmem:$0x18200] =	vst v63  }
0x14a: {  	s11 =	simm.s32 $0x14200  }
0x14b: {  	[hbm4b:s5+s2] =	stream.indirect_vreg.scatter [tilespmem:s11], [sflag:$0x2], $0x80, v3, vm0, $0xb8;
	[tilespmem:$0x18200] =	vst v63  }
0x14c: {  	s14 =	simm.s32 $0x14A00  }
0x14d: {  	[hbm4b:s6+s2] =	stream.indirect_vreg.scatter [tilespmem:s14], [sflag:$0x2], $0x80, v3, vm0, $0xb8;
	[tilespmem:$0x18200] =	vst v63  }
0x14e: {  	v3 =	vld [tilespmem:$0x1B0];
	_ =	sdelay $0x4  }
0x14f: {  	v63 =	vshrl.u32 v3, $0x3  }
0x150: {  	v4 =	vmul.u32 $0x30, v63  }
0x151: {  	v3 =	vand.u32 $0x7, v3  }
0x152: {  	v3 =	vor.u32 v3, v4  }
0x153: {  	v4 =	vperm.xlane v3, v0;
	_ =	sdelay $0x1  }
0x154: {  	v4 =	vadd.s32 v1, v4;
	_ =	sdelay $0x3  }
0x155: {  	s11 =	simm.s32 $0x15200;
	v3 =	vperm.xlane v3, v2  }
0x156: {  	[hbm4b:s3+s2] =	stream.indirect_vreg.scatter [tilespmem:s11], [sflag:$0x2], $0x80, v4, vm0, $0xb8;
	[tilespmem:$0x18200] =	vst v63  }
0x157: {  	s14 =	simm.s32 $0x15A00;
	v3 =	vadd.s32 v1, v3  }
0x158: {  	[hbm4b:s5+s2] =	stream.indirect_vreg.scatter [tilespmem:s14], [sflag:$0x2], $0x80, v4, vm0, $0xb8;
	[tilespmem:$0x18200] =	vst v63  }
0x159: {  	s11 =	simm.s32 $0x16200  }
0x15a: {  	[hbm4b:s6+s2] =	stream.indirect_vreg.scatter [tilespmem:s11], [sflag:$0x2], $0x80, v4, vm0, $0xb8;
	[tilespmem:$0x18200] =	vst v63  }
0x15b: {  	s14 =	simm.s32 $0x16A00  }
0x15c: {  	[hbm4b:s3+s2] =	stream.indirect_vreg.scatter [tilespmem:s14], [sflag:$0x2], $0x80, v3, vm0, $0xb8;
	[tilespmem:$0x18200] =	vst v63  }
0x15d: {  	s11 =	simm.s32 $0x17200  }
0x15e: {  	[hbm4b:s5+s2] =	stream.indirect_vreg.scatter [tilespmem:s11], [sflag:$0x2], $0x80, v3, vm0, $0xb8;
	[tilespmem:$0x18200] =	vst v63  }
0x15f: {  	s14 =	simm.s32 $0x17A00  }
0x160: {  	[hbm4b:s6+s2] =	stream.indirect_vreg.scatter [tilespmem:s14], [sflag:$0x2], $0x80, v3, vm0, $0xb8;
	[tilespmem:$0x18200] =	vst v63  }
0x161: {  	p0 =	sne.s32 s7, $0x1;
	_ =	swait.ge [sflag:s13], $0xC000  }
.Ltmp0:
0x162: {  	[sflag:s13] =	ssyncset.done $0x0;
	(pc) =	sbr.rel @p0 .LBB2_1-.Ltmp0, $4  }
0x163: {  	[sflag:s13] =	ssyncadd.s32 $0xFFFF4000  }
0x164: {  	_ =	swait.ge [sflag:s13], $0xC000  }
0x165: {  	[sflag:s13] =	ssyncset.done $0x0  }
0x166: {  	s7 =	sadd.s32 $0xFFFFFFFF, s7;
	[sflag:s13] =	ssyncadd.s32 $0xFFFF4000  }
0x167: {  	_ =	sfence.sel $0x180000  }
0x168: {  	[bflag:$0x0] =	sbarrier.arrive $0xFFFF  }
0x169: {  	_ =	strace $0x90000047  }
0x16a: {  	s0 =	stileid.u32;
	[bflag:$0x2] =	sbarrier.arrive $0xFFFF  }
0x16b: {  	p0 =	sne.s32 s0, $0x0;
	s0 =	rddreg [dreg:$0x2]  }
0x16c: {  	s0 =	sadd.s32 @!p0 $0x100000, s0  }
0x16d: {  	[sflag:s0] =	ssyncadd.tile.s32 @!p0 $0x1;
	_ =	shalt  }
.Lfunc_end2:
_tile_overlayer_lowered:
.L_overlay_start_2:
0x16e: {  	(tag) =	ssettag $0x2  }
0x16f: {  	s0 =	rddreg [dreg:$0x0];
	s2 =	stileid.u32  }
0x170: {  	s1 =	rddreg [dreg:$0x1];
	p0 =	sne.s32 s2, $0x0  }
0x171: {  	s3 =	rddreg [dreg:$0x2];
	[bflag:$0x3] =	sbarrier.arrive $0xFFFF;
	s2 =	simm.s32 @!p0 $0x1C03  }
0x172: {  	[timem:s3], [sflag:s2] =	dma.local @!p0 [hbm:s0], s1  }
0x173: {  	s0 =	simm.s32 @!p0 $0x3  }
0x174: {  	_ =	swait.ge @!p0 [sflag:s0], s1  }
0x175: {  	s1 =	ssub.s32 @!p0 $0x0, s1;
	[sflag:s0] =	ssyncset.done @!p0 $0x0  }
0x176: {  	[sflag:s0] =	ssyncadd.s32 @!p0 s1  }
0x177: {  	[bflag:$0x3] =	sbarrier.arrive $0xFFFF  }
0x178: {  	_ =	shalt  }

</sc_bundles>
